<compile_context>
chip_gen: v7x
topology: tpu7x:2x2x1
jax: 0.10.2.dev20260603
libtpu: 0.0.44.dev20260713+nightly
codegen_flags: <defaults>
</compile_context>

<pallas_src>
import jax
import jax.numpy as jnp
from jax import lax
from jax.experimental import pallas as pl
from jax.experimental.pallas import tpu as pltpu
from jax.experimental.pallas import tpu_sc as plsc

N = 10000
NPAD = 10112
E = 320000
NW = 32
RPT = NPAD // 16

_mesh = plsc.VectorSubcoreMesh(core_axis_name="c", subcore_axis_name="s")


EC = 400
NC = 25
NCG = NC // 2
HR = 640
SRT = N // 16


def _sc_layer1_body(p_hbm, src_hbm, dst_hbm, z32_hbm, z640_hbm, iota_hbm,
                    sum_out, cnt_out, idx_s, idx_d, rows, hcnt, iota_v,
                    p_sh, acc, cnt, semg0, semg1):
    cid = lax.axis_index("c")
    sid = lax.axis_index("s")
    wid = cid * 16 + sid
    r0 = sid * RPT
    pltpu.sync_copy(z32_hbm, acc.at[pl.ds(r0, RPT)])
    pltpu.sync_copy(z640_hbm, hcnt)
    pltpu.sync_copy(iota_hbm, iota_v)
    pltpu.sync_copy(src_hbm.at[wid], idx_s)
    pltpu.sync_copy(dst_hbm.at[wid], idx_d)
    pltpu.sync_copy(p_hbm.at[pl.ds(sid * SRT, SRT)],
                    p_sh.at[pl.ds(sid * SRT, SRT)])

    @pl.when(sid < 8)
    def _():
        pltpu.sync_copy(z640_hbm.at[pl.ds(0, HR // 8)],
                        cnt.at[pl.ds(sid * (HR // 8), HR // 8)])

    plsc.subcore_barrier()

    semg = (semg0, semg1)
    ones16 = jnp.ones((16,), jnp.float32)

    def gfire(c, b):
        pltpu.async_copy(p_sh.at[idx_s.at[c]],
                         rows.at[b], semg[b])

    def gwait(b):
        pltpu.make_async_copy(p_sh.at[idx_s.at[0]],
                              rows.at[b], semg[b]).wait()

    def scat(c, b):
        pltpu.sync_copy(rows.at[b], acc.at[idx_d.at[c]], add=True)

    def hist(c):
        def hbody(k, carry):
            d = idx_d[c, pl.ds(k * 16, 16)]
            plsc.addupdate_scatter(
                hcnt, [lax.shift_right_logical(d, 4),
                       jnp.bitwise_and(d, 15)], ones16)
            return carry
        lax.fori_loop(0, EC // 16, hbody, 0)

    gfire(0, 0)

    def body(g, carry):
        c0 = g * 2
        gfire(c0 + 1, 1)
        hist(c0)
        gwait(0)
        scat(c0, 0)

        @pl.when(c0 + 2 < NC)
        def _():
            gfire(c0 + 2, 0)

        hist(c0 + 1)
        gwait(1)
        scat(c0 + 1, 1)
        return carry

    lax.fori_loop(0, NCG, body, 0)
    hist(NC - 1)
    gwait(0)
    scat(NC - 1, 0)
    pltpu.sync_copy(hcnt, cnt.at[iota_v], add=True)
    plsc.subcore_barrier()
    pltpu.sync_copy(acc.at[pl.ds(r0, RPT)], sum_out.at[cid, pl.ds(r0, RPT)])

    @pl.when(sid < 8)
    def _():
        pltpu.sync_copy(cnt.at[pl.ds(sid * (HR // 8), HR // 8)],
                        cnt_out.at[cid, pl.ds(sid * (HR // 8), HR // 8)])


def _sc_layer2_body(p_hbm, src_hbm, dst_hbm, z16_hbm,
                    sum_out, idx_s, idx_d, rows, p_sh, acc, semg0, semg1):
    cid = lax.axis_index("c")
    sid = lax.axis_index("s")
    wid = cid * 16 + sid
    r0 = sid * RPT
    pltpu.sync_copy(z16_hbm, acc.at[pl.ds(r0, RPT)])
    pltpu.sync_copy(src_hbm.at[wid], idx_s)
    pltpu.sync_copy(dst_hbm.at[wid], idx_d)
    pltpu.sync_copy(p_hbm.at[pl.ds(sid * SRT, SRT)],
                    p_sh.at[pl.ds(sid * SRT, SRT)])
    plsc.subcore_barrier()

    semg = (semg0, semg1)

    def gfire(c, b):
        pltpu.async_copy(p_sh.at[idx_s.at[c]],
                         rows.at[b], semg[b])

    def gwait(b):
        pltpu.make_async_copy(p_sh.at[idx_s.at[0]],
                              rows.at[b], semg[b]).wait()

    def scat(c, b):
        pltpu.sync_copy(rows.at[b], acc.at[idx_d.at[c]],
                        add=True)

    gfire(0, 0)

    def body(g, carry):
        c0 = g * 2
        gfire(c0 + 1, 1)
        gwait(0)
        scat(c0, 0)

        @pl.when(c0 + 2 < NC)
        def _():
            gfire(c0 + 2, 0)

        gwait(1)
        scat(c0 + 1, 1)
        return carry

    lax.fori_loop(0, NCG, body, 0)
    gwait(0)
    scat(NC - 1, 0)
    plsc.subcore_barrier()
    pltpu.sync_copy(acc.at[pl.ds(r0, RPT)], sum_out.at[cid, pl.ds(r0, RPT)])


_sc_layer1 = pl.kernel(
    _sc_layer1_body,
    out_type=[jax.ShapeDtypeStruct((2, NPAD, 32), jnp.float32),
              jax.ShapeDtypeStruct((2, HR, 16), jnp.float32)],
    mesh=_mesh,
    compiler_params=pltpu.CompilerParams(use_tc_tiling_on_sc=False,
                                         needs_layout_passes=False),
    scratch_types=(
        [pltpu.VMEM((NC, EC), jnp.int32),
         pltpu.VMEM((NC, EC), jnp.int32),
         pltpu.VMEM((2, EC, 32), jnp.float32),
         pltpu.VMEM((HR, 16), jnp.float32),
         pltpu.VMEM((HR,), jnp.int32),
         pltpu.VMEM_SHARED((N, 32), jnp.float32),
         pltpu.VMEM_SHARED((NPAD, 32), jnp.float32),
         pltpu.VMEM_SHARED((HR, 16), jnp.float32)]
        + [pltpu.SemaphoreType.DMA] * 2))

_sc_layer2 = pl.kernel(
    _sc_layer2_body,
    out_type=[jax.ShapeDtypeStruct((2, NPAD, 16), jnp.float32)],
    mesh=_mesh,
    compiler_params=pltpu.CompilerParams(use_tc_tiling_on_sc=False),
    scratch_types=(
        [pltpu.VMEM((NC, EC), jnp.int32),
         pltpu.VMEM((NC, EC), jnp.int32),
         pltpu.VMEM((2, EC, 16), jnp.float32),
         pltpu.VMEM_SHARED((N, 16), jnp.float32),
         pltpu.VMEM_SHARED((NPAD, 16), jnp.float32)]
        + [pltpu.SemaphoreType.DMA] * 2))


def _tc_in_body(x_ref, wl_ref, wr_ref, bl_ref, p_ref, q_ref):
    x = x_ref[...]
    p_ref[...] = jnp.dot(x, wl_ref[...], preferred_element_type=jnp.float32)
    q_ref[...] = (jnp.dot(x, wr_ref[...], preferred_element_type=jnp.float32)
                  + bl_ref[...])


def _tc_mid_body(sum_ref, cnt_ref, q1_ref, wl_ref, wr_ref, bl_ref,
                 p2_ref, q2_ref):
    s = sum_ref[0, :N, :] + sum_ref[1, :N, :]
    c = cnt_ref[0, :N, :1] + cnt_ref[1, :N, :1]
    h = jnp.maximum(s / jnp.maximum(c, 1.0) + q1_ref[...], 0.0)
    p2_ref[...] = jnp.dot(h, wl_ref[...], preferred_element_type=jnp.float32)
    q2_ref[...] = (jnp.dot(h, wr_ref[...], preferred_element_type=jnp.float32)
                   + bl_ref[...])


def _tc_out_body(sum_ref, cnt_ref, q2_ref, wo_ref, bo_ref, o_ref):
    s = sum_ref[0, :N, :] + sum_ref[1, :N, :]
    c = cnt_ref[0, :N, :1] + cnt_ref[1, :N, :1]
    h = jnp.maximum(s / jnp.maximum(c, 1.0) + q2_ref[...], 0.0)
    o_ref[...] = jax.nn.sigmoid(
        jnp.dot(h, wo_ref[...], preferred_element_type=jnp.float32)
        + bo_ref[...])


_tc_out = pl.pallas_call(
    _tc_out_body,
    out_shape=jax.ShapeDtypeStruct((N, 1), jnp.float32))


_tc_in = pl.pallas_call(
    _tc_in_body,
    out_shape=[jax.ShapeDtypeStruct((N, 32), jnp.float32),
               jax.ShapeDtypeStruct((N, 32), jnp.float32)])
_tc_mid = pl.pallas_call(
    _tc_mid_body,
    out_shape=[jax.ShapeDtypeStruct((N, 16), jnp.float32),
               jax.ShapeDtypeStruct((N, 16), jnp.float32)])
def kernel(x, edge_index, Wl1, bl1, Wr1, Wl2, bl2, Wr2, Wo, bo):
    ei = edge_index.astype(jnp.int32)
    src = ei[0].reshape(NW, NC, EC)
    dst = ei[1].reshape(NW, NC, EC)
    z32 = jnp.zeros((RPT, 32), jnp.float32)
    z16 = jnp.zeros((RPT, 16), jnp.float32)
    z640 = jnp.zeros((HR, 16), jnp.float32)
    iota = jnp.arange(HR, dtype=jnp.int32)

    p1, q1 = _tc_in(x, Wl1, Wr1, bl1.reshape(1, 32))
    sum1, cnt = _sc_layer1(p1, src, dst, z32, z640, iota)
    cntp = cnt.reshape(2, HR * 16, 1)
    p2, q2 = _tc_mid(sum1, cntp, q1, Wl2, Wr2, bl2.reshape(1, 16))
    sum2, = _sc_layer2(p2, src, dst, z16)
    return _tc_out(sum2, cntp, q2, Wo, bo.reshape(1, 1))

# --- scband reference (transcript-rebuilt; emitter-appended) ---
"""Pipeline reference for scband-graph-sage-33225867002200 (READ-ONLY COPY).

The authoritative reference and input builder live on the scoring server;
editing this copy changes nothing except your own understanding.
"""

import jax, jax.numpy as jnp
import numpy as np

N_NODES = 10000
N_EDGES = 320000
D_IN = 128
D_HID = 32
D_OUT2 = 16


def setup_inputs(seed: int = 0) -> dict:
    key = jax.random.key(seed)
    ks = jax.random.split(key, 12)
    x = jax.random.normal(ks[0], (N_NODES, D_IN), dtype=jnp.float32)
    edge_index = jax.random.randint(ks[1], (2, N_EDGES), 0, N_NODES, dtype=jnp.int64)
    s = 0.05
    Wl1 = jax.random.normal(ks[2], (D_IN, D_HID), dtype=jnp.float32) * s
    bl1 = jnp.zeros((D_HID,), dtype=jnp.float32)
    Wr1 = jax.random.normal(ks[3], (D_IN, D_HID), dtype=jnp.float32) * s
    Wl2 = jax.random.normal(ks[4], (D_HID, D_OUT2), dtype=jnp.float32) * s
    bl2 = jnp.zeros((D_OUT2,), dtype=jnp.float32)
    Wr2 = jax.random.normal(ks[5], (D_HID, D_OUT2), dtype=jnp.float32) * s
    Wo = jax.random.normal(ks[6], (D_OUT2, 1), dtype=jnp.float32) * s
    bo = jnp.zeros((1,), dtype=jnp.float32)
    return {"x": x, "edge_index": edge_index, "Wl1": Wl1, "bl1": bl1, "Wr1": Wr1,
            "Wl2": Wl2, "bl2": bl2, "Wr2": Wr2, "Wo": Wo, "bo": bo}


def _sage_conv(x, edge_index, Wl, bl, Wr):
    # PyG SAGEConv with mean aggregation:
    # out = lin_l(mean_{j in N(i)} x_j) + lin_r(x_i)
    src = edge_index[0]
    dst = edge_index[1]
    msgs = jnp.take(x, src, axis=0)
    summed = jax.ops.segment_sum(msgs, dst, num_segments=x.shape[0])
    cnt = jax.ops.segment_sum(jnp.ones((edge_index.shape[1],), dtype=x.dtype), dst,
                              num_segments=x.shape[0])
    mean = summed / jnp.clip(cnt, 1.0, None)[:, None]
    return mean @ Wl + bl + x @ Wr


def reference(x, edge_index, Wl1, bl1, Wr1, Wl2, bl2, Wr2, Wo, bo):
    h = jax.nn.relu(_sage_conv(x, edge_index, Wl1, bl1, Wr1))
    # dropout(p=0.1) is identity in eval mode
    h = jax.nn.relu(_sage_conv(h, edge_index, Wl2, bl2, Wr2))
    return jax.nn.sigmoid(h @ Wo + bo)

if __name__ == "__main__":
    import jax
    _d = setup_inputs()
    print(jax.jit(kernel)(*tuple(_d.values())))

</pallas_src>

<mosaic_0001>
#map = affine_map<(d0, d1) -> (0, 0)>
#map1 = affine_map<(d0, d1) -> (0, 0, 0)>
#map2 = affine_map<(d0, d1) -> (0)>
module attributes {stable_mosaic.version = 14 : i64} {
  func.func @_sc_layer1_body(%arg0: i32, %arg1: i32, %arg2: memref<10000x32xf32, #tpu.memory_space<hbm>>, %arg3: memref<32x25x400xi32, #tpu.memory_space<hbm>>, %arg4: memref<32x25x400xi32, #tpu.memory_space<hbm>>, %arg5: memref<632x32xf32, #tpu.memory_space<hbm>>, %arg6: memref<640x16xf32, #tpu.memory_space<hbm>>, %arg7: memref<640xi32, #tpu.memory_space<hbm>>, %arg8: memref<2x10112x32xf32, #tpu.memory_space<hbm>>, %arg9: memref<2x640x16xf32, #tpu.memory_space<hbm>>, %arg10: memref<25x400xi32, #tpu.memory_space<vmem>>, %arg11: memref<25x400xi32, #tpu.memory_space<vmem>>, %arg12: memref<2x400x32xf32, #tpu.memory_space<vmem>>, %arg13: memref<640x16xf32, #tpu.memory_space<vmem>>, %arg14: memref<640xi32, #tpu.memory_space<vmem>>, %arg15: memref<10000x32xf32, #tpu.memory_space<vmem_shared>>, %arg16: memref<10112x32xf32, #tpu.memory_space<vmem_shared>>, %arg17: memref<640x16xf32, #tpu.memory_space<vmem_shared>>, %arg18: memref<!tpu.dma_semaphore, #tpu.memory_space<semaphore_mem>>, %arg19: memref<!tpu.dma_semaphore, #tpu.memory_space<semaphore_mem>>) attributes {dimension_semantics = [#tpu.dimension_semantics<core_parallel>, #tpu.dimension_semantics<subcore_parallel>], iteration_bounds = array<i64: 2, 16>, scalar_prefetch = 0 : i64, scratch_operands = 10 : i64, tpu.core_type = #tpu.core_type<sc_vector_subcore>, window_params = [{transform_indices = #map}, {transform_indices = #map1}, {transform_indices = #map1}, {transform_indices = #map}, {transform_indices = #map}, {transform_indices = #map2}, {transform_indices = #map1}, {transform_indices = #map1}]} {
    %mul3A = arith.constant 16 : i32
    %mul3A_0 = arith.muli %arg0, %mul3A : i32
    %add3A = arith.addi %mul3A_0, %arg1 : i32
    %mul3A_1 = arith.constant 632 : i32
    %mul3A_2 = arith.muli %arg1, %mul3A_1 : i32
    "tpu.region"() ({
      %run_scoped3A_50 = tpu.sem_alloc : memref<!tpu.dma_semaphore, #tpu.memory_space<semaphore_mem>>
      %dma_start3A_51 = arith.constant 0 : i32
      %dma_start3A_52 = tpu.memref_slice %arg16[%mul3A_2, %dma_start3A_51] : memref<10112x32xf32, #tpu.memory_space<vmem_shared>> -> memref<632x32xf32, #tpu.memory_space<vmem_shared>>
      tpu.enqueue_dma source(%arg5 : memref<632x32xf32, #tpu.memory_space<hbm>>) target(%dma_start3A_52 : memref<632x32xf32, #tpu.memory_space<vmem_shared>>) target_semaphore(%run_scoped3A_50 : memref<!tpu.dma_semaphore, #tpu.memory_space<semaphore_mem>>)
      %dma_wait3A_53 = arith.constant 0 : i32
      %dma_wait3A_54 = tpu.memref_slice %arg16[%mul3A_2, %dma_wait3A_53] : memref<10112x32xf32, #tpu.memory_space<vmem_shared>> -> memref<632x32xf32, #tpu.memory_space<vmem_shared>>
      tpu.wait_dma2 semaphore(%run_scoped3A_50 : memref<!tpu.dma_semaphore, #tpu.memory_space<semaphore_mem>>) src(%arg5 : memref<632x32xf32, #tpu.memory_space<hbm>>) dst(%dma_wait3A_54 : memref<632x32xf32, #tpu.memory_space<vmem_shared>>)
      tpu.yield
    }) : () -> ()
    "tpu.region"() ({
      %run_scoped3A_50 = tpu.sem_alloc : memref<!tpu.dma_semaphore, #tpu.memory_space<semaphore_mem>>
      tpu.enqueue_dma source(%arg6 : memref<640x16xf32, #tpu.memory_space<hbm>>) target(%arg13 : memref<640x16xf32, #tpu.memory_space<vmem>>) target_semaphore(%run_scoped3A_50 : memref<!tpu.dma_semaphore, #tpu.memory_space<semaphore_mem>>)
      tpu.wait_dma2 semaphore(%run_scoped3A_50 : memref<!tpu.dma_semaphore, #tpu.memory_space<semaphore_mem>>) src(%arg6 : memref<640x16xf32, #tpu.memory_space<hbm>>) dst(%arg13 : memref<640x16xf32, #tpu.memory_space<vmem>>)
      tpu.yield
    }) : () -> ()
    "tpu.region"() ({
      %run_scoped3A_50 = tpu.sem_alloc : memref<!tpu.dma_semaphore, #tpu.memory_space<semaphore_mem>>
      tpu.enqueue_dma source(%arg7 : memref<640xi32, #tpu.memory_space<hbm>>) target(%arg14 : memref<640xi32, #tpu.memory_space<vmem>>) target_semaphore(%run_scoped3A_50 : memref<!tpu.dma_semaphore, #tpu.memory_space<semaphore_mem>>)
      tpu.wait_dma2 semaphore(%run_scoped3A_50 : memref<!tpu.dma_semaphore, #tpu.memory_space<semaphore_mem>>) src(%arg7 : memref<640xi32, #tpu.memory_space<hbm>>) dst(%arg14 : memref<640xi32, #tpu.memory_space<vmem>>)
      tpu.yield
    }) : () -> ()
    "tpu.region"() ({
      %run_scoped3A_50 = tpu.sem_alloc : memref<!tpu.dma_semaphore, #tpu.memory_space<semaphore_mem>>
      %dma_start3A_51 = arith.constant 0 : i32
      %dma_start3A_52 = arith.constant 0 : i32
      %dma_start3A_53 = tpu.memref_slice %arg3[%add3A, %dma_start3A_51, %dma_start3A_52] : memref<32x25x400xi32, #tpu.memory_space<hbm>> -> memref<1x25x400xi32, #tpu.memory_space<hbm>>
      %dma_start3A_54 = tpu.memref_squeeze %dma_start3A_53 : memref<1x25x400xi32, #tpu.memory_space<hbm>> -> memref<25x400xi32, #tpu.memory_space<hbm>>
      %dma_start3A_55 = arith.constant 0 : i32
      %dma_start3A_56 = arith.constant 0 : i32
      %dma_start3A_57 = tpu.memref_slice %arg3[%add3A, %dma_start3A_55, %dma_start3A_56] : memref<32x25x400xi32, #tpu.memory_space<hbm>> -> memref<1x25x400xi32, #tpu.memory_space<hbm>>
      %dma_start3A_58 = tpu.memref_squeeze %dma_start3A_57 : memref<1x25x400xi32, #tpu.memory_space<hbm>> -> memref<25x400xi32, #tpu.memory_space<hbm>>
      tpu.enqueue_dma source(%dma_start3A_58 : memref<25x400xi32, #tpu.memory_space<hbm>>) target(%arg10 : memref<25x400xi32, #tpu.memory_space<vmem>>) target_semaphore(%run_scoped3A_50 : memref<!tpu.dma_semaphore, #tpu.memory_space<semaphore_mem>>)
      %dma_wait3A_59 = arith.constant 0 : i32
      %dma_wait3A_60 = arith.constant 0 : i32
      %dma_wait3A_61 = tpu.memref_slice %arg3[%add3A, %dma_wait3A_59, %dma_wait3A_60] : memref<32x25x400xi32, #tpu.memory_space<hbm>> -> memref<1x25x400xi32, #tpu.memory_space<hbm>>
      %dma_wait3A_62 = tpu.memref_squeeze %dma_wait3A_61 : memref<1x25x400xi32, #tpu.memory_space<hbm>> -> memref<25x400xi32, #tpu.memory_space<hbm>>
      %dma_wait3A_63 = arith.constant 0 : i32
      %dma_wait3A_64 = arith.constant 0 : i32
      %dma_wait3A_65 = tpu.memref_slice %arg3[%add3A, %dma_wait3A_63, %dma_wait3A_64] : memref<32x25x400xi32, #tpu.memory_space<hbm>> -> memref<1x25x400xi32, #tpu.memory_space<hbm>>
      %dma_wait3A_66 = tpu.memref_squeeze %dma_wait3A_65 : memref<1x25x400xi32, #tpu.memory_space<hbm>> -> memref<25x400xi32, #tpu.memory_space<hbm>>
      tpu.wait_dma2 semaphore(%run_scoped3A_50 : memref<!tpu.dma_semaphore, #tpu.memory_space<semaphore_mem>>) src(%dma_wait3A_66 : memref<25x400xi32, #tpu.memory_space<hbm>>) dst(%arg10 : memref<25x400xi32, #tpu.memory_space<vmem>>)
      tpu.yield
    }) : () -> ()
    "tpu.region"() ({
      %run_scoped3A_50 = tpu.sem_alloc : memref<!tpu.dma_semaphore, #tpu.memory_space<semaphore_mem>>
      %dma_start3A_51 = arith.constant 0 : i32
      %dma_start3A_52 = arith.constant 0 : i32
      %dma_start3A_53 = tpu.memref_slice %arg4[%add3A, %dma_start3A_51, %dma_start3A_52] : memref<32x25x400xi32, #tpu.memory_space<hbm>> -> memref<1x25x400xi32, #tpu.memory_space<hbm>>
      %dma_start3A_54 = tpu.memref_squeeze %dma_start3A_53 : memref<1x25x400xi32, #tpu.memory_space<hbm>> -> memref<25x400xi32, #tpu.memory_space<hbm>>
      %dma_start3A_55 = arith.constant 0 : i32
      %dma_start3A_56 = arith.constant 0 : i32
      %dma_start3A_57 = tpu.memref_slice %arg4[%add3A, %dma_start3A_55, %dma_start3A_56] : memref<32x25x400xi32, #tpu.memory_space<hbm>> -> memref<1x25x400xi32, #tpu.memory_space<hbm>>
      %dma_start3A_58 = tpu.memref_squeeze %dma_start3A_57 : memref<1x25x400xi32, #tpu.memory_space<hbm>> -> memref<25x400xi32, #tpu.memory_space<hbm>>
      tpu.enqueue_dma source(%dma_start3A_58 : memref<25x400xi32, #tpu.memory_space<hbm>>) target(%arg11 : memref<25x400xi32, #tpu.memory_space<vmem>>) target_semaphore(%run_scoped3A_50 : memref<!tpu.dma_semaphore, #tpu.memory_space<semaphore_mem>>)
      %dma_wait3A_59 = arith.constant 0 : i32
      %dma_wait3A_60 = arith.constant 0 : i32
      %dma_wait3A_61 = tpu.memref_slice %arg4[%add3A, %dma_wait3A_59, %dma_wait3A_60] : memref<32x25x400xi32, #tpu.memory_space<hbm>> -> memref<1x25x400xi32, #tpu.memory_space<hbm>>
      %dma_wait3A_62 = tpu.memref_squeeze %dma_wait3A_61 : memref<1x25x400xi32, #tpu.memory_space<hbm>> -> memref<25x400xi32, #tpu.memory_space<hbm>>
      %dma_wait3A_63 = arith.constant 0 : i32
      %dma_wait3A_64 = arith.constant 0 : i32
      %dma_wait3A_65 = tpu.memref_slice %arg4[%add3A, %dma_wait3A_63, %dma_wait3A_64] : memref<32x25x400xi32, #tpu.memory_space<hbm>> -> memref<1x25x400xi32, #tpu.memory_space<hbm>>
      %dma_wait3A_66 = tpu.memref_squeeze %dma_wait3A_65 : memref<1x25x400xi32, #tpu.memory_space<hbm>> -> memref<25x400xi32, #tpu.memory_space<hbm>>
      tpu.wait_dma2 semaphore(%run_scoped3A_50 : memref<!tpu.dma_semaphore, #tpu.memory_space<semaphore_mem>>) src(%dma_wait3A_66 : memref<25x400xi32, #tpu.memory_space<hbm>>) dst(%arg11 : memref<25x400xi32, #tpu.memory_space<vmem>>)
      tpu.yield
    }) : () -> ()
    %mul3A_3 = arith.constant 625 : i32
    %mul3A_4 = arith.muli %arg1, %mul3A_3 : i32
    %mul3A_5 = arith.constant 625 : i32
    %mul3A_6 = arith.muli %arg1, %mul3A_5 : i32
    "tpu.region"() ({
      %run_scoped3A_50 = tpu.sem_alloc : memref<!tpu.dma_semaphore, #tpu.memory_space<semaphore_mem>>
      %dma_start3A_51 = arith.constant 0 : i32
      %dma_start3A_52 = tpu.memref_slice %arg15[%mul3A_6, %dma_start3A_51] : memref<10000x32xf32, #tpu.memory_space<vmem_shared>> -> memref<625x32xf32, #tpu.memory_space<vmem_shared>>
      %dma_start3A_53 = arith.constant 0 : i32
      %dma_start3A_54 = tpu.memref_slice %arg2[%mul3A_4, %dma_start3A_53] : memref<10000x32xf32, #tpu.memory_space<hbm>> -> memref<625x32xf32, #tpu.memory_space<hbm>>
      tpu.enqueue_dma source(%dma_start3A_54 : memref<625x32xf32, #tpu.memory_space<hbm>>) target(%dma_start3A_52 : memref<625x32xf32, #tpu.memory_space<vmem_shared>>) target_semaphore(%run_scoped3A_50 : memref<!tpu.dma_semaphore, #tpu.memory_space<semaphore_mem>>)
      %dma_wait3A_55 = arith.constant 0 : i32
      %dma_wait3A_56 = tpu.memref_slice %arg15[%mul3A_6, %dma_wait3A_55] : memref<10000x32xf32, #tpu.memory_space<vmem_shared>> -> memref<625x32xf32, #tpu.memory_space<vmem_shared>>
      %dma_wait3A_57 = arith.constant 0 : i32
      %dma_wait3A_58 = tpu.memref_slice %arg2[%mul3A_4, %dma_wait3A_57] : memref<10000x32xf32, #tpu.memory_space<hbm>> -> memref<625x32xf32, #tpu.memory_space<hbm>>
      tpu.wait_dma2 semaphore(%run_scoped3A_50 : memref<!tpu.dma_semaphore, #tpu.memory_space<semaphore_mem>>) src(%dma_wait3A_58 : memref<625x32xf32, #tpu.memory_space<hbm>>) dst(%dma_wait3A_56 : memref<625x32xf32, #tpu.memory_space<vmem_shared>>)
      tpu.yield
    }) : () -> ()
    %lt3A = arith.constant 8 : i32
    %lt3A_7 = arith.cmpi slt, %arg1, %lt3A : i32
    %convert_element_type3A = arith.extui %lt3A_7 : i1 to i32
    %cond3A = arith.constant 0 : i32
    %cond3A_8 = arith.cmpi ne, %convert_element_type3A, %cond3A : i32
    scf.if %cond3A_8 {
      %mul3A_50 = arith.constant 80 : i32
      %mul3A_51 = arith.muli %arg1, %mul3A_50 : i32
      "tpu.region"() ({
        %run_scoped3A_52 = tpu.sem_alloc : memref<!tpu.dma_semaphore, #tpu.memory_space<semaphore_mem>>
        %dma_start3A_53 = arith.constant 0 : i32
        %dma_start3A_54 = tpu.memref_slice %arg17[%mul3A_51, %dma_start3A_53] : memref<640x16xf32, #tpu.memory_space<vmem_shared>> -> memref<80x16xf32, #tpu.memory_space<vmem_shared>>
        %dma_start3A_55 = arith.constant 0 : i32
        %dma_start3A_56 = arith.constant 0 : i32
        %dma_start3A_57 = tpu.memref_slice %arg6[%dma_start3A_55, %dma_start3A_56] : memref<640x16xf32, #tpu.memory_space<hbm>> -> memref<80x16xf32, #tpu.memory_space<hbm>>
        tpu.enqueue_dma source(%dma_start3A_57 : memref<80x16xf32, #tpu.memory_space<hbm>>) target(%dma_start3A_54 : memref<80x16xf32, #tpu.memory_space<vmem_shared>>) target_semaphore(%run_scoped3A_52 : memref<!tpu.dma_semaphore, #tpu.memory_space<semaphore_mem>>)
        %dma_wait3A_58 = arith.constant 0 : i32
        %dma_wait3A_59 = tpu.memref_slice %arg17[%mul3A_51, %dma_wait3A_58] : memref<640x16xf32, #tpu.memory_space<vmem_shared>> -> memref<80x16xf32, #tpu.memory_space<vmem_shared>>
        %dma_wait3A_60 = arith.constant 0 : i32
        %dma_wait3A_61 = arith.constant 0 : i32
        %dma_wait3A_62 = tpu.memref_slice %arg6[%dma_wait3A_60, %dma_wait3A_61] : memref<640x16xf32, #tpu.memory_space<hbm>> -> memref<80x16xf32, #tpu.memory_space<hbm>>
        tpu.wait_dma2 semaphore(%run_scoped3A_52 : memref<!tpu.dma_semaphore, #tpu.memory_space<semaphore_mem>>) src(%dma_wait3A_62 : memref<80x16xf32, #tpu.memory_space<hbm>>) dst(%dma_wait3A_59 : memref<80x16xf32, #tpu.memory_space<vmem_shared>>)
        tpu.yield
      }) : () -> ()
    } else {
    }
    %barrier3A = arith.constant 0 : index
    tpu.barrier barrier_id(%barrier3A)
    %broadcast_in_dim3A = arith.constant 1.000000e+00 : f32
    %broadcast_in_dim3A_9 = vector.broadcast %broadcast_in_dim3A : f32 to vector<16xf32>
    %dma_start3A = arith.constant 0 : i32
    %dma_start3A_10 = arith.constant 0 : i32
    %dma_start3A_11 = arith.constant 0 : i32
    %dma_start3A_12 = arith.constant 0 : i32
    %dma_start3A_13 = tpu.memref_slice %arg12[%dma_start3A_10, %dma_start3A_11, %dma_start3A_12] : memref<2x400x32xf32, #tpu.memory_space<vmem>> -> memref<1x400x32xf32, #tpu.memory_space<vmem>>
    %dma_start3A_14 = tpu.memref_squeeze %dma_start3A_13 : memref<1x400x32xf32, #tpu.memory_space<vmem>> -> memref<400x32xf32, #tpu.memory_space<vmem>>
    %dma_start3A_15 = arith.constant 0 : i32
    %dma_start3A_16 = tpu.memref_slice %arg10[%dma_start3A, %dma_start3A_15] : memref<25x400xi32, #tpu.memory_space<vmem>> -> memref<1x400xi32, #tpu.memory_space<vmem>>
    %dma_start3A_17 = tpu.memref_squeeze %dma_start3A_16 : memref<1x400xi32, #tpu.memory_space<vmem>> -> memref<400xi32, #tpu.memory_space<vmem>>
    %dma_start3A_18 = arith.constant 0 : i32
    %dma_start3A_19 = arith.constant 0 : i32
    %dma_start3A_20 = tpu.memref_slice %arg15[%dma_start3A_18, %dma_start3A_19] : memref<10000x32xf32, #tpu.memory_space<vmem_shared>> -> memref<10000x32xf32, #tpu.memory_space<vmem_shared>>
    tpu.enqueue_indirect_dma source(%dma_start3A_20 : memref<10000x32xf32, #tpu.memory_space<vmem_shared>>) target(%dma_start3A_14 : memref<400x32xf32, #tpu.memory_space<vmem>>) offsets(%dma_start3A_17 : memref<400xi32, #tpu.memory_space<vmem>>) semaphore(%arg18 : memref<!tpu.dma_semaphore, #tpu.memory_space<semaphore_mem>>)
    %scan3A = arith.constant 0 : i32
    %scan3A_21 = arith.constant 0 : i32
    %scan3A_22 = arith.constant 12 : i32
    %scan3A_23 = arith.addi %scan3A_21, %scan3A_22 : i32
    %scan3A_24 = arith.constant 1 : i32
    scf.for %scan3A_50 = %scan3A_21 to %scan3A_23 step %scan3A_24  : i32 {
      %mul3A_51 = arith.constant 2 : i32
      %mul3A_52 = arith.muli %scan3A_50, %mul3A_51 : i32
      %add3A_53 = arith.constant 1 : i32
      %add3A_54 = arith.addi %mul3A_52, %add3A_53 : i32
      %dma_start3A_55 = arith.constant 1 : i32
      %dma_start3A_56 = arith.constant 0 : i32
      %dma_start3A_57 = arith.constant 0 : i32
      %dma_start3A_58 = tpu.memref_slice %arg12[%dma_start3A_55, %dma_start3A_56, %dma_start3A_57] : memref<2x400x32xf32, #tpu.memory_space<vmem>> -> memref<1x400x32xf32, #tpu.memory_space<vmem>>
      %dma_start3A_59 = tpu.memref_squeeze %dma_start3A_58 : memref<1x400x32xf32, #tpu.memory_space<vmem>> -> memref<400x32xf32, #tpu.memory_space<vmem>>
      %dma_start3A_60 = arith.constant 0 : i32
      %dma_start3A_61 = tpu.memref_slice %arg10[%add3A_54, %dma_start3A_60] : memref<25x400xi32, #tpu.memory_space<vmem>> -> memref<1x400xi32, #tpu.memory_space<vmem>>
      %dma_start3A_62 = tpu.memref_squeeze %dma_start3A_61 : memref<1x400xi32, #tpu.memory_space<vmem>> -> memref<400xi32, #tpu.memory_space<vmem>>
      %dma_start3A_63 = arith.constant 0 : i32
      %dma_start3A_64 = arith.constant 0 : i32
      %dma_start3A_65 = tpu.memref_slice %arg15[%dma_start3A_63, %dma_start3A_64] : memref<10000x32xf32, #tpu.memory_space<vmem_shared>> -> memref<10000x32xf32, #tpu.memory_space<vmem_shared>>
      tpu.enqueue_indirect_dma source(%dma_start3A_65 : memref<10000x32xf32, #tpu.memory_space<vmem_shared>>) target(%dma_start3A_59 : memref<400x32xf32, #tpu.memory_space<vmem>>) offsets(%dma_start3A_62 : memref<400xi32, #tpu.memory_space<vmem>>) semaphore(%arg19 : memref<!tpu.dma_semaphore, #tpu.memory_space<semaphore_mem>>)
      %scan3A_66 = arith.constant 0 : i32
      %scan3A_67 = arith.constant 0 : i32
      %scan3A_68 = arith.constant 25 : i32
      %scan3A_69 = arith.addi %scan3A_67, %scan3A_68 : i32
      %scan3A_70 = arith.constant 1 : i32
      scf.for %scan3A_115 = %scan3A_67 to %scan3A_69 step %scan3A_70  : i32 {
        %mul3A_116 = arith.constant 16 : i32
        %mul3A_117 = arith.muli %scan3A_115, %mul3A_116 : i32
        %get3A = arith.index_cast %mul3A_52 : i32 to index
        %get3A_118 = arith.index_cast %mul3A_117 : i32 to index
        %get3A_119 = tpu.vector_load %arg11[%get3A, %get3A_118] {strides = array<i32>} : memref<25x400xi32, #tpu.memory_space<vmem>>, vector<16xi32>,
        %shift_right_logical3A = arith.constant 4 : i32
        %shift_right_logical3A_120 = vector.broadcast %shift_right_logical3A : i32 to vector<16xi32>
        %shift_right_logical3A_121 = arith.shrui %get3A_119, %shift_right_logical3A_120 : vector<16xi32>
        %and3A = arith.constant 15 : i32
        %and3A_122 = vector.broadcast %and3A : i32 to vector<16xi32>
        %and3A_123 = arith.andi %get3A_119, %and3A_122 : vector<16xi32>
        tpu.vector_store_idx %arg13[%shift_right_logical3A_121, %and3A_123], %broadcast_in_dim3A_9 {add = true} : memref<640x16xf32, #tpu.memory_space<vmem>>[vector<16xi32>, vector<16xi32>], vector<16xf32>,
      }
      %scan3A_71 = arith.constant 25 : i32
      %dma_wait3A_72 = arith.constant 0 : i32
      %dma_wait3A_73 = arith.constant 0 : i32
      %dma_wait3A_74 = arith.constant 0 : i32
      %dma_wait3A_75 = arith.constant 0 : i32
      %dma_wait3A_76 = tpu.memref_slice %arg12[%dma_wait3A_73, %dma_wait3A_74, %dma_wait3A_75] : memref<2x400x32xf32, #tpu.memory_space<vmem>> -> memref<1x400x32xf32, #tpu.memory_space<vmem>>
      %dma_wait3A_77 = tpu.memref_squeeze %dma_wait3A_76 : memref<1x400x32xf32, #tpu.memory_space<vmem>> -> memref<400x32xf32, #tpu.memory_space<vmem>>
      %dma_wait3A_78 = arith.constant 0 : i32
      %dma_wait3A_79 = tpu.memref_slice %arg10[%dma_wait3A_72, %dma_wait3A_78] : memref<25x400xi32, #tpu.memory_space<vmem>> -> memref<1x400xi32, #tpu.memory_space<vmem>>
      %dma_wait3A_80 = tpu.memref_squeeze %dma_wait3A_79 : memref<1x400xi32, #tpu.memory_space<vmem>> -> memref<400xi32, #tpu.memory_space<vmem>>
      %dma_wait3A_81 = arith.constant 0 : i32
      %dma_wait3A_82 = arith.constant 0 : i32
      %dma_wait3A_83 = tpu.memref_slice %arg15[%dma_wait3A_81, %dma_wait3A_82] : memref<10000x32xf32, #tpu.memory_space<vmem_shared>> -> memref<10000x32xf32, #tpu.memory_space<vmem_shared>>
      tpu.wait_indirect_dma semaphore(%arg18 : memref<!tpu.dma_semaphore, #tpu.memory_space<semaphore_mem>>) src(%dma_wait3A_83 : memref<10000x32xf32, #tpu.memory_space<vmem_shared>>) dst(%dma_wait3A_77 : memref<400x32xf32, #tpu.memory_space<vmem>>)
      %run_scoped3A_84 = arith.constant 0 : i32
      "tpu.region"() ({
        %run_scoped3A_115 = tpu.sem_alloc : memref<!tpu.dma_semaphore, #tpu.memory_space<semaphore_mem>>
        %dma_start3A_116 = arith.constant 0 : i32
        %dma_start3A_117 = arith.constant 0 : i32
        %dma_start3A_118 = tpu.memref_slice %arg12[%run_scoped3A_84, %dma_start3A_116, %dma_start3A_117] : memref<2x400x32xf32, #tpu.memory_space<vmem>> -> memref<1x400x32xf32, #tpu.memory_space<vmem>>
        %dma_start3A_119 = tpu.memref_squeeze %dma_start3A_118 : memref<1x400x32xf32, #tpu.memory_space<vmem>> -> memref<400x32xf32, #tpu.memory_space<vmem>>
        %dma_start3A_120 = arith.constant 0 : i32
        %dma_start3A_121 = tpu.memref_slice %arg11[%mul3A_52, %dma_start3A_120] : memref<25x400xi32, #tpu.memory_space<vmem>> -> memref<1x400xi32, #tpu.memory_space<vmem>>
        %dma_start3A_122 = tpu.memref_squeeze %dma_start3A_121 : memref<1x400xi32, #tpu.memory_space<vmem>> -> memref<400xi32, #tpu.memory_space<vmem>>
        %dma_start3A_123 = arith.constant 0 : i32
        %dma_start3A_124 = arith.constant 0 : i32
        %dma_start3A_125 = tpu.memref_slice %arg16[%dma_start3A_123, %dma_start3A_124] : memref<10112x32xf32, #tpu.memory_space<vmem_shared>> -> memref<10112x32xf32, #tpu.memory_space<vmem_shared>>
        tpu.enqueue_indirect_dma source(%dma_start3A_119 : memref<400x32xf32, #tpu.memory_space<vmem>>) target(%dma_start3A_125 : memref<10112x32xf32, #tpu.memory_space<vmem_shared>>) offsets(%dma_start3A_122 : memref<400xi32, #tpu.memory_space<vmem>>) semaphore(%run_scoped3A_115 : memref<!tpu.dma_semaphore, #tpu.memory_space<semaphore_mem>>) {add = true}
        %dma_wait3A_126 = arith.constant 0 : i32
        %dma_wait3A_127 = arith.constant 0 : i32
        %dma_wait3A_128 = tpu.memref_slice %arg12[%run_scoped3A_84, %dma_wait3A_126, %dma_wait3A_127] : memref<2x400x32xf32, #tpu.memory_space<vmem>> -> memref<1x400x32xf32, #tpu.memory_space<vmem>>
        %dma_wait3A_129 = tpu.memref_squeeze %dma_wait3A_128 : memref<1x400x32xf32, #tpu.memory_space<vmem>> -> memref<400x32xf32, #tpu.memory_space<vmem>>
        %dma_wait3A_130 = arith.constant 0 : i32
        %dma_wait3A_131 = tpu.memref_slice %arg11[%mul3A_52, %dma_wait3A_130] : memref<25x400xi32, #tpu.memory_space<vmem>> -> memref<1x400xi32, #tpu.memory_space<vmem>>
        %dma_wait3A_132 = tpu.memref_squeeze %dma_wait3A_131 : memref<1x400xi32, #tpu.memory_space<vmem>> -> memref<400xi32, #tpu.memory_space<vmem>>
        %dma_wait3A_133 = arith.constant 0 : i32
        %dma_wait3A_134 = arith.constant 0 : i32
        %dma_wait3A_135 = tpu.memref_slice %arg16[%dma_wait3A_133, %dma_wait3A_134] : memref<10112x32xf32, #tpu.memory_space<vmem_shared>> -> memref<10112x32xf32, #tpu.memory_space<vmem_shared>>
        tpu.wait_indirect_dma semaphore(%run_scoped3A_115 : memref<!tpu.dma_semaphore, #tpu.memory_space<semaphore_mem>>) src(%dma_wait3A_129 : memref<400x32xf32, #tpu.memory_space<vmem>>) dst(%dma_wait3A_135 : memref<10112x32xf32, #tpu.memory_space<vmem_shared>>)
        tpu.yield
      }) : () -> ()
      %add3A_85 = arith.constant 2 : i32
      %add3A_86 = arith.addi %mul3A_52, %add3A_85 : i32
      %lt3A_87 = arith.constant 25 : i32
      %lt3A_88 = arith.cmpi slt, %add3A_86, %lt3A_87 : i32
      %convert_element_type3A_89 = arith.extui %lt3A_88 : i1 to i32
      %cond3A_90 = arith.constant 0 : i32
      %cond3A_91 = arith.cmpi ne, %convert_element_type3A_89, %cond3A_90 : i32
      scf.if %cond3A_91 {
        %add3A_115 = arith.constant 2 : i32
        %add3A_116 = arith.addi %mul3A_52, %add3A_115 : i32
        %dma_start3A_117 = arith.constant 0 : i32
        %dma_start3A_118 = arith.constant 0 : i32
        %dma_start3A_119 = arith.constant 0 : i32
        %dma_start3A_120 = tpu.memref_slice %arg12[%dma_start3A_117, %dma_start3A_118, %dma_start3A_119] : memref<2x400x32xf32, #tpu.memory_space<vmem>> -> memref<1x400x32xf32, #tpu.memory_space<vmem>>
        %dma_start3A_121 = tpu.memref_squeeze %dma_start3A_120 : memref<1x400x32xf32, #tpu.memory_space<vmem>> -> memref<400x32xf32, #tpu.memory_space<vmem>>
        %dma_start3A_122 = arith.constant 0 : i32
        %dma_start3A_123 = tpu.memref_slice %arg10[%add3A_116, %dma_start3A_122] : memref<25x400xi32, #tpu.memory_space<vmem>> -> memref<1x400xi32, #tpu.memory_space<vmem>>
        %dma_start3A_124 = tpu.memref_squeeze %dma_start3A_123 : memref<1x400xi32, #tpu.memory_space<vmem>> -> memref<400xi32, #tpu.memory_space<vmem>>
        %dma_start3A_125 = arith.constant 0 : i32
        %dma_start3A_126 = arith.constant 0 : i32
        %dma_start3A_127 = tpu.memref_slice %arg15[%dma_start3A_125, %dma_start3A_126] : memref<10000x32xf32, #tpu.memory_space<vmem_shared>> -> memref<10000x32xf32, #tpu.memory_space<vmem_shared>>
        tpu.enqueue_indirect_dma source(%dma_start3A_127 : memref<10000x32xf32, #tpu.memory_space<vmem_shared>>) target(%dma_start3A_121 : memref<400x32xf32, #tpu.memory_space<vmem>>) offsets(%dma_start3A_124 : memref<400xi32, #tpu.memory_space<vmem>>) semaphore(%arg18 : memref<!tpu.dma_semaphore, #tpu.memory_space<semaphore_mem>>)
      } else {
      }
      %add3A_92 = arith.constant 1 : i32
      %add3A_93 = arith.addi %mul3A_52, %add3A_92 : i32
      %scan3A_94 = arith.constant 0 : i32
      %scan3A_95 = arith.constant 0 : i32
      %scan3A_96 = arith.constant 25 : i32
      %scan3A_97 = arith.addi %scan3A_95, %scan3A_96 : i32
      %scan3A_98 = arith.constant 1 : i32
      scf.for %scan3A_115 = %scan3A_95 to %scan3A_97 step %scan3A_98  : i32 {
        %mul3A_116 = arith.constant 16 : i32
        %mul3A_117 = arith.muli %scan3A_115, %mul3A_116 : i32
        %get3A = arith.index_cast %add3A_93 : i32 to index
        %get3A_118 = arith.index_cast %mul3A_117 : i32 to index
        %get3A_119 = tpu.vector_load %arg11[%get3A, %get3A_118] {strides = array<i32>} : memref<25x400xi32, #tpu.memory_space<vmem>>, vector<16xi32>,
        %shift_right_logical3A = arith.constant 4 : i32
        %shift_right_logical3A_120 = vector.broadcast %shift_right_logical3A : i32 to vector<16xi32>
        %shift_right_logical3A_121 = arith.shrui %get3A_119, %shift_right_logical3A_120 : vector<16xi32>
        %and3A = arith.constant 15 : i32
        %and3A_122 = vector.broadcast %and3A : i32 to vector<16xi32>
        %and3A_123 = arith.andi %get3A_119, %and3A_122 : vector<16xi32>
        tpu.vector_store_idx %arg13[%shift_right_logical3A_121, %and3A_123], %broadcast_in_dim3A_9 {add = true} : memref<640x16xf32, #tpu.memory_space<vmem>>[vector<16xi32>, vector<16xi32>], vector<16xf32>,
      }
      %scan3A_99 = arith.constant 25 : i32
      %dma_wait3A_100 = arith.constant 0 : i32
      %dma_wait3A_101 = arith.constant 1 : i32
      %dma_wait3A_102 = arith.constant 0 : i32
      %dma_wait3A_103 = arith.constant 0 : i32
      %dma_wait3A_104 = tpu.memref_slice %arg12[%dma_wait3A_101, %dma_wait3A_102, %dma_wait3A_103] : memref<2x400x32xf32, #tpu.memory_space<vmem>> -> memref<1x400x32xf32, #tpu.memory_space<vmem>>
      %dma_wait3A_105 = tpu.memref_squeeze %dma_wait3A_104 : memref<1x400x32xf32, #tpu.memory_space<vmem>> -> memref<400x32xf32, #tpu.memory_space<vmem>>
      %dma_wait3A_106 = arith.constant 0 : i32
      %dma_wait3A_107 = tpu.memref_slice %arg10[%dma_wait3A_100, %dma_wait3A_106] : memref<25x400xi32, #tpu.memory_space<vmem>> -> memref<1x400xi32, #tpu.memory_space<vmem>>
      %dma_wait3A_108 = tpu.memref_squeeze %dma_wait3A_107 : memref<1x400xi32, #tpu.memory_space<vmem>> -> memref<400xi32, #tpu.memory_space<vmem>>
      %dma_wait3A_109 = arith.constant 0 : i32
      %dma_wait3A_110 = arith.constant 0 : i32
      %dma_wait3A_111 = tpu.memref_slice %arg15[%dma_wait3A_109, %dma_wait3A_110] : memref<10000x32xf32, #tpu.memory_space<vmem_shared>> -> memref<10000x32xf32, #tpu.memory_space<vmem_shared>>
      tpu.wait_indirect_dma semaphore(%arg19 : memref<!tpu.dma_semaphore, #tpu.memory_space<semaphore_mem>>) src(%dma_wait3A_111 : memref<10000x32xf32, #tpu.memory_space<vmem_shared>>) dst(%dma_wait3A_105 : memref<400x32xf32, #tpu.memory_space<vmem>>)
      %add3A_112 = arith.constant 1 : i32
      %add3A_113 = arith.addi %mul3A_52, %add3A_112 : i32
      %run_scoped3A_114 = arith.constant 1 : i32
      "tpu.region"() ({
        %run_scoped3A_115 = tpu.sem_alloc : memref<!tpu.dma_semaphore, #tpu.memory_space<semaphore_mem>>
        %dma_start3A_116 = arith.constant 0 : i32
        %dma_start3A_117 = arith.constant 0 : i32
        %dma_start3A_118 = tpu.memref_slice %arg12[%run_scoped3A_114, %dma_start3A_116, %dma_start3A_117] : memref<2x400x32xf32, #tpu.memory_space<vmem>> -> memref<1x400x32xf32, #tpu.memory_space<vmem>>
        %dma_start3A_119 = tpu.memref_squeeze %dma_start3A_118 : memref<1x400x32xf32, #tpu.memory_space<vmem>> -> memref<400x32xf32, #tpu.memory_space<vmem>>
        %dma_start3A_120 = arith.constant 0 : i32
        %dma_start3A_121 = tpu.memref_slice %arg11[%add3A_113, %dma_start3A_120] : memref<25x400xi32, #tpu.memory_space<vmem>> -> memref<1x400xi32, #tpu.memory_space<vmem>>
        %dma_start3A_122 = tpu.memref_squeeze %dma_start3A_121 : memref<1x400xi32, #tpu.memory_space<vmem>> -> memref<400xi32, #tpu.memory_space<vmem>>
        %dma_start3A_123 = arith.constant 0 : i32
        %dma_start3A_124 = arith.constant 0 : i32
        %dma_start3A_125 = tpu.memref_slice %arg16[%dma_start3A_123, %dma_start3A_124] : memref<10112x32xf32, #tpu.memory_space<vmem_shared>> -> memref<10112x32xf32, #tpu.memory_space<vmem_shared>>
        tpu.enqueue_indirect_dma source(%dma_start3A_119 : memref<400x32xf32, #tpu.memory_space<vmem>>) target(%dma_start3A_125 : memref<10112x32xf32, #tpu.memory_space<vmem_shared>>) offsets(%dma_start3A_122 : memref<400xi32, #tpu.memory_space<vmem>>) semaphore(%run_scoped3A_115 : memref<!tpu.dma_semaphore, #tpu.memory_space<semaphore_mem>>) {add = true}
        %dma_wait3A_126 = arith.constant 0 : i32
        %dma_wait3A_127 = arith.constant 0 : i32
        %dma_wait3A_128 = tpu.memref_slice %arg12[%run_scoped3A_114, %dma_wait3A_126, %dma_wait3A_127] : memref<2x400x32xf32, #tpu.memory_space<vmem>> -> memref<1x400x32xf32, #tpu.memory_space<vmem>>
        %dma_wait3A_129 = tpu.memref_squeeze %dma_wait3A_128 : memref<1x400x32xf32, #tpu.memory_space<vmem>> -> memref<400x32xf32, #tpu.memory_space<vmem>>
        %dma_wait3A_130 = arith.constant 0 : i32
        %dma_wait3A_131 = tpu.memref_slice %arg11[%add3A_113, %dma_wait3A_130] : memref<25x400xi32, #tpu.memory_space<vmem>> -> memref<1x400xi32, #tpu.memory_space<vmem>>
        %dma_wait3A_132 = tpu.memref_squeeze %dma_wait3A_131 : memref<1x400xi32, #tpu.memory_space<vmem>> -> memref<400xi32, #tpu.memory_space<vmem>>
        %dma_wait3A_133 = arith.constant 0 : i32
        %dma_wait3A_134 = arith.constant 0 : i32
        %dma_wait3A_135 = tpu.memref_slice %arg16[%dma_wait3A_133, %dma_wait3A_134] : memref<10112x32xf32, #tpu.memory_space<vmem_shared>> -> memref<10112x32xf32, #tpu.memory_space<vmem_shared>>
        tpu.wait_indirect_dma semaphore(%run_scoped3A_115 : memref<!tpu.dma_semaphore, #tpu.memory_space<semaphore_mem>>) src(%dma_wait3A_129 : memref<400x32xf32, #tpu.memory_space<vmem>>) dst(%dma_wait3A_135 : memref<10112x32xf32, #tpu.memory_space<vmem_shared>>)
        tpu.yield
      }) : () -> ()
    }
    %scan3A_25 = arith.constant 12 : i32
    %scan3A_26 = arith.constant 0 : i32
    %scan3A_27 = arith.constant 0 : i32
    %scan3A_28 = arith.constant 25 : i32
    %scan3A_29 = arith.addi %scan3A_27, %scan3A_28 : i32
    %scan3A_30 = arith.constant 1 : i32
    scf.for %scan3A_50 = %scan3A_27 to %scan3A_29 step %scan3A_30  : i32 {
      %mul3A_51 = arith.constant 16 : i32
      %mul3A_52 = arith.muli %scan3A_50, %mul3A_51 : i32
      %get3A = arith.constant 24 : i32
      %get3A_53 = arith.index_cast %get3A : i32 to index
      %get3A_54 = arith.index_cast %mul3A_52 : i32 to index
      %get3A_55 = tpu.vector_load %arg11[%get3A_53, %get3A_54] {strides = array<i32>} : memref<25x400xi32, #tpu.memory_space<vmem>>, vector<16xi32>,
      %shift_right_logical3A = arith.constant 4 : i32
      %shift_right_logical3A_56 = vector.broadcast %shift_right_logical3A : i32 to vector<16xi32>
      %shift_right_logical3A_57 = arith.shrui %get3A_55, %shift_right_logical3A_56 : vector<16xi32>
      %and3A = arith.constant 15 : i32
      %and3A_58 = vector.broadcast %and3A : i32 to vector<16xi32>
      %and3A_59 = arith.andi %get3A_55, %and3A_58 : vector<16xi32>
      tpu.vector_store_idx %arg13[%shift_right_logical3A_57, %and3A_59], %broadcast_in_dim3A_9 {add = true} : memref<640x16xf32, #tpu.memory_space<vmem>>[vector<16xi32>, vector<16xi32>], vector<16xf32>,
    }
    %scan3A_31 = arith.constant 25 : i32
    %dma_wait3A = arith.constant 0 : i32
    %dma_wait3A_32 = arith.constant 0 : i32
    %dma_wait3A_33 = arith.constant 0 : i32
    %dma_wait3A_34 = arith.constant 0 : i32
    %dma_wait3A_35 = tpu.memref_slice %arg12[%dma_wait3A_32, %dma_wait3A_33, %dma_wait3A_34] : memref<2x400x32xf32, #tpu.memory_space<vmem>> -> memref<1x400x32xf32, #tpu.memory_space<vmem>>
    %dma_wait3A_36 = tpu.memref_squeeze %dma_wait3A_35 : memref<1x400x32xf32, #tpu.memory_space<vmem>> -> memref<400x32xf32, #tpu.memory_space<vmem>>
    %dma_wait3A_37 = arith.constant 0 : i32
    %dma_wait3A_38 = tpu.memref_slice %arg10[%dma_wait3A, %dma_wait3A_37] : memref<25x400xi32, #tpu.memory_space<vmem>> -> memref<1x400xi32, #tpu.memory_space<vmem>>
    %dma_wait3A_39 = tpu.memref_squeeze %dma_wait3A_38 : memref<1x400xi32, #tpu.memory_space<vmem>> -> memref<400xi32, #tpu.memory_space<vmem>>
    %dma_wait3A_40 = arith.constant 0 : i32
    %dma_wait3A_41 = arith.constant 0 : i32
    %dma_wait3A_42 = tpu.memref_slice %arg15[%dma_wait3A_40, %dma_wait3A_41] : memref<10000x32xf32, #tpu.memory_space<vmem_shared>> -> memref<10000x32xf32, #tpu.memory_space<vmem_shared>>
    tpu.wait_indirect_dma semaphore(%arg18 : memref<!tpu.dma_semaphore, #tpu.memory_space<semaphore_mem>>) src(%dma_wait3A_42 : memref<10000x32xf32, #tpu.memory_space<vmem_shared>>) dst(%dma_wait3A_36 : memref<400x32xf32, #tpu.memory_space<vmem>>)
    %run_scoped3A = arith.constant 0 : i32
    %run_scoped3A_43 = arith.constant 24 : i32
    "tpu.region"() ({
      %run_scoped3A_50 = tpu.sem_alloc : memref<!tpu.dma_semaphore, #tpu.memory_space<semaphore_mem>>
      %dma_start3A_51 = arith.constant 0 : i32
      %dma_start3A_52 = arith.constant 0 : i32
      %dma_start3A_53 = tpu.memref_slice %arg12[%run_scoped3A, %dma_start3A_51, %dma_start3A_52] : memref<2x400x32xf32, #tpu.memory_space<vmem>> -> memref<1x400x32xf32, #tpu.memory_space<vmem>>
      %dma_start3A_54 = tpu.memref_squeeze %dma_start3A_53 : memref<1x400x32xf32, #tpu.memory_space<vmem>> -> memref<400x32xf32, #tpu.memory_space<vmem>>
      %dma_start3A_55 = arith.constant 0 : i32
      %dma_start3A_56 = tpu.memref_slice %arg11[%run_scoped3A_43, %dma_start3A_55] : memref<25x400xi32, #tpu.memory_space<vmem>> -> memref<1x400xi32, #tpu.memory_space<vmem>>
      %dma_start3A_57 = tpu.memref_squeeze %dma_start3A_56 : memref<1x400xi32, #tpu.memory_space<vmem>> -> memref<400xi32, #tpu.memory_space<vmem>>
      %dma_start3A_58 = arith.constant 0 : i32
      %dma_start3A_59 = arith.constant 0 : i32
      %dma_start3A_60 = tpu.memref_slice %arg16[%dma_start3A_58, %dma_start3A_59] : memref<10112x32xf32, #tpu.memory_space<vmem_shared>> -> memref<10112x32xf32, #tpu.memory_space<vmem_shared>>
      tpu.enqueue_indirect_dma source(%dma_start3A_54 : memref<400x32xf32, #tpu.memory_space<vmem>>) target(%dma_start3A_60 : memref<10112x32xf32, #tpu.memory_space<vmem_shared>>) offsets(%dma_start3A_57 : memref<400xi32, #tpu.memory_space<vmem>>) semaphore(%run_scoped3A_50 : memref<!tpu.dma_semaphore, #tpu.memory_space<semaphore_mem>>) {add = true}
      %dma_wait3A_61 = arith.constant 0 : i32
      %dma_wait3A_62 = arith.constant 0 : i32
      %dma_wait3A_63 = tpu.memref_slice %arg12[%run_scoped3A, %dma_wait3A_61, %dma_wait3A_62] : memref<2x400x32xf32, #tpu.memory_space<vmem>> -> memref<1x400x32xf32, #tpu.memory_space<vmem>>
      %dma_wait3A_64 = tpu.memref_squeeze %dma_wait3A_63 : memref<1x400x32xf32, #tpu.memory_space<vmem>> -> memref<400x32xf32, #tpu.memory_space<vmem>>
      %dma_wait3A_65 = arith.constant 0 : i32
      %dma_wait3A_66 = tpu.memref_slice %arg11[%run_scoped3A_43, %dma_wait3A_65] : memref<25x400xi32, #tpu.memory_space<vmem>> -> memref<1x400xi32, #tpu.memory_space<vmem>>
      %dma_wait3A_67 = tpu.memref_squeeze %dma_wait3A_66 : memref<1x400xi32, #tpu.memory_space<vmem>> -> memref<400xi32, #tpu.memory_space<vmem>>
      %dma_wait3A_68 = arith.constant 0 : i32
      %dma_wait3A_69 = arith.constant 0 : i32
      %dma_wait3A_70 = tpu.memref_slice %arg16[%dma_wait3A_68, %dma_wait3A_69] : memref<10112x32xf32, #tpu.memory_space<vmem_shared>> -> memref<10112x32xf32, #tpu.memory_space<vmem_shared>>
      tpu.wait_indirect_dma semaphore(%run_scoped3A_50 : memref<!tpu.dma_semaphore, #tpu.memory_space<semaphore_mem>>) src(%dma_wait3A_64 : memref<400x32xf32, #tpu.memory_space<vmem>>) dst(%dma_wait3A_70 : memref<10112x32xf32, #tpu.memory_space<vmem_shared>>)
      tpu.yield
    }) : () -> ()
    "tpu.region"() ({
      %run_scoped3A_50 = tpu.sem_alloc : memref<!tpu.dma_semaphore, #tpu.memory_space<semaphore_mem>>
      %dma_start3A_51 = arith.constant 0 : i32
      %dma_start3A_52 = arith.constant 0 : i32
      %dma_start3A_53 = tpu.memref_slice %arg17[%dma_start3A_51, %dma_start3A_52] : memref<640x16xf32, #tpu.memory_space<vmem_shared>> -> memref<640x16xf32, #tpu.memory_space<vmem_shared>>
      tpu.enqueue_indirect_dma source(%arg13 : memref<640x16xf32, #tpu.memory_space<vmem>>) target(%dma_start3A_53 : memref<640x16xf32, #tpu.memory_space<vmem_shared>>) offsets(%arg14 : memref<640xi32, #tpu.memory_space<vmem>>) semaphore(%run_scoped3A_50 : memref<!tpu.dma_semaphore, #tpu.memory_space<semaphore_mem>>) {add = true}
      %dma_wait3A_54 = arith.constant 0 : i32
      %dma_wait3A_55 = arith.constant 0 : i32
      %dma_wait3A_56 = tpu.memref_slice %arg17[%dma_wait3A_54, %dma_wait3A_55] : memref<640x16xf32, #tpu.memory_space<vmem_shared>> -> memref<640x16xf32, #tpu.memory_space<vmem_shared>>
      tpu.wait_indirect_dma semaphore(%run_scoped3A_50 : memref<!tpu.dma_semaphore, #tpu.memory_space<semaphore_mem>>) src(%arg13 : memref<640x16xf32, #tpu.memory_space<vmem>>) dst(%dma_wait3A_56 : memref<640x16xf32, #tpu.memory_space<vmem_shared>>)
      tpu.yield
    }) : () -> ()
    %barrier3A_44 = arith.constant 0 : index
    tpu.barrier barrier_id(%barrier3A_44)
    "tpu.region"() ({
      %run_scoped3A_50 = tpu.sem_alloc : memref<!tpu.dma_semaphore, #tpu.memory_space<semaphore_mem>>
      %dma_start3A_51 = arith.constant 0 : i32
      %dma_start3A_52 = tpu.memref_slice %arg8[%arg0, %mul3A_2, %dma_start3A_51] : memref<2x10112x32xf32, #tpu.memory_space<hbm>> -> memref<1x632x32xf32, #tpu.memory_space<hbm>>
      %dma_start3A_53 = tpu.memref_squeeze %dma_start3A_52 : memref<1x632x32xf32, #tpu.memory_space<hbm>> -> memref<632x32xf32, #tpu.memory_space<hbm>>
      %dma_start3A_54 = arith.constant 0 : i32
      %dma_start3A_55 = tpu.memref_slice %arg16[%mul3A_2, %dma_start3A_54] : memref<10112x32xf32, #tpu.memory_space<vmem_shared>> -> memref<632x32xf32, #tpu.memory_space<vmem_shared>>
      tpu.enqueue_dma source(%dma_start3A_55 : memref<632x32xf32, #tpu.memory_space<vmem_shared>>) target(%dma_start3A_53 : memref<632x32xf32, #tpu.memory_space<hbm>>) target_semaphore(%run_scoped3A_50 : memref<!tpu.dma_semaphore, #tpu.memory_space<semaphore_mem>>)
      %dma_wait3A_56 = arith.constant 0 : i32
      %dma_wait3A_57 = tpu.memref_slice %arg8[%arg0, %mul3A_2, %dma_wait3A_56] : memref<2x10112x32xf32, #tpu.memory_space<hbm>> -> memref<1x632x32xf32, #tpu.memory_space<hbm>>
      %dma_wait3A_58 = tpu.memref_squeeze %dma_wait3A_57 : memref<1x632x32xf32, #tpu.memory_space<hbm>> -> memref<632x32xf32, #tpu.memory_space<hbm>>
      %dma_wait3A_59 = arith.constant 0 : i32
      %dma_wait3A_60 = tpu.memref_slice %arg16[%mul3A_2, %dma_wait3A_59] : memref<10112x32xf32, #tpu.memory_space<vmem_shared>> -> memref<632x32xf32, #tpu.memory_space<vmem_shared>>
      tpu.wait_dma2 semaphore(%run_scoped3A_50 : memref<!tpu.dma_semaphore, #tpu.memory_space<semaphore_mem>>) src(%dma_wait3A_60 : memref<632x32xf32, #tpu.memory_space<vmem_shared>>) dst(%dma_wait3A_58 : memref<632x32xf32, #tpu.memory_space<hbm>>)
      tpu.yield
    }) : () -> ()
    %lt3A_45 = arith.constant 8 : i32
    %lt3A_46 = arith.cmpi slt, %arg1, %lt3A_45 : i32
    %convert_element_type3A_47 = arith.extui %lt3A_46 : i1 to i32
    %cond3A_48 = arith.constant 0 : i32
    %cond3A_49 = arith.cmpi ne, %convert_element_type3A_47, %cond3A_48 : i32
    scf.if %cond3A_49 {
      %mul3A_50 = arith.constant 80 : i32
      %mul3A_51 = arith.muli %arg1, %mul3A_50 : i32
      %mul3A_52 = arith.constant 80 : i32
      %mul3A_53 = arith.muli %arg1, %mul3A_52 : i32
      "tpu.region"() ({
        %run_scoped3A_54 = tpu.sem_alloc : memref<!tpu.dma_semaphore, #tpu.memory_space<semaphore_mem>>
        %dma_start3A_55 = arith.constant 0 : i32
        %dma_start3A_56 = tpu.memref_slice %arg9[%arg0, %mul3A_53, %dma_start3A_55] : memref<2x640x16xf32, #tpu.memory_space<hbm>> -> memref<1x80x16xf32, #tpu.memory_space<hbm>>
        %dma_start3A_57 = tpu.memref_squeeze %dma_start3A_56 : memref<1x80x16xf32, #tpu.memory_space<hbm>> -> memref<80x16xf32, #tpu.memory_space<hbm>>
        %dma_start3A_58 = arith.constant 0 : i32
        %dma_start3A_59 = tpu.memref_slice %arg17[%mul3A_51, %dma_start3A_58] : memref<640x16xf32, #tpu.memory_space<vmem_shared>> -> memref<80x16xf32, #tpu.memory_space<vmem_shared>>
        tpu.enqueue_dma source(%dma_start3A_59 : memref<80x16xf32, #tpu.memory_space<vmem_shared>>) target(%dma_start3A_57 : memref<80x16xf32, #tpu.memory_space<hbm>>) target_semaphore(%run_scoped3A_54 : memref<!tpu.dma_semaphore, #tpu.memory_space<semaphore_mem>>)
        %dma_wait3A_60 = arith.constant 0 : i32
        %dma_wait3A_61 = tpu.memref_slice %arg9[%arg0, %mul3A_53, %dma_wait3A_60] : memref<2x640x16xf32, #tpu.memory_space<hbm>> -> memref<1x80x16xf32, #tpu.memory_space<hbm>>
        %dma_wait3A_62 = tpu.memref_squeeze %dma_wait3A_61 : memref<1x80x16xf32, #tpu.memory_space<hbm>> -> memref<80x16xf32, #tpu.memory_space<hbm>>
        %dma_wait3A_63 = arith.constant 0 : i32
        %dma_wait3A_64 = tpu.memref_slice %arg17[%mul3A_51, %dma_wait3A_63] : memref<640x16xf32, #tpu.memory_space<vmem_shared>> -> memref<80x16xf32, #tpu.memory_space<vmem_shared>>
        tpu.wait_dma2 semaphore(%run_scoped3A_54 : memref<!tpu.dma_semaphore, #tpu.memory_space<semaphore_mem>>) src(%dma_wait3A_64 : memref<80x16xf32, #tpu.memory_space<vmem_shared>>) dst(%dma_wait3A_62 : memref<80x16xf32, #tpu.memory_space<hbm>>)
        tpu.yield
      }) : () -> ()
    } else {
    }
    return
  }
}

#map = affine_map<(d0, d1) -> (0, 0)>
#map1 = affine_map<(d0, d1) -> (0, 0, 0)>
module attributes {stable_mosaic.version = 14 : i64} {
  func.func @_sc_layer2_body(%arg0: i32, %arg1: i32, %arg2: memref<10000x16xf32, #tpu.memory_space<hbm>>, %arg3: memref<32x25x400xi32, #tpu.memory_space<hbm>>, %arg4: memref<32x25x400xi32, #tpu.memory_space<hbm>>, %arg5: memref<632x16xf32, #tpu.memory_space<hbm>>, %arg6: memref<2x10112x16xf32, #tpu.memory_space<hbm>>, %arg7: memref<25x400xi32, #tpu.memory_space<vmem>>, %arg8: memref<25x400xi32, #tpu.memory_space<vmem>>, %arg9: memref<2x400x16xf32, #tpu.memory_space<vmem>>, %arg10: memref<10000x16xf32, #tpu.memory_space<vmem_shared>>, %arg11: memref<10112x16xf32, #tpu.memory_space<vmem_shared>>, %arg12: memref<!tpu.dma_semaphore, #tpu.memory_space<semaphore_mem>>, %arg13: memref<!tpu.dma_semaphore, #tpu.memory_space<semaphore_mem>>) attributes {dimension_semantics = [#tpu.dimension_semantics<core_parallel>, #tpu.dimension_semantics<subcore_parallel>], iteration_bounds = array<i64: 2, 16>, scalar_prefetch = 0 : i64, scratch_operands = 7 : i64, tpu.core_type = #tpu.core_type<sc_vector_subcore>, window_params = [{transform_indices = #map}, {transform_indices = #map1}, {transform_indices = #map1}, {transform_indices = #map}, {transform_indices = #map1}]} {
    %mul3A = arith.constant 16 : i32
    %mul3A_0 = arith.muli %arg0, %mul3A : i32
    %add3A = arith.addi %mul3A_0, %arg1 : i32
    %mul3A_1 = arith.constant 632 : i32
    %mul3A_2 = arith.muli %arg1, %mul3A_1 : i32
    "tpu.region"() ({
      %run_scoped3A_36 = tpu.sem_alloc : memref<!tpu.dma_semaphore, #tpu.memory_space<semaphore_mem>>
      %dma_start3A_37 = arith.constant 0 : i32
      %dma_start3A_38 = tpu.memref_slice %arg11[%mul3A_2, %dma_start3A_37] : memref<10112x16xf32, #tpu.memory_space<vmem_shared>> -> memref<632x16xf32, #tpu.memory_space<vmem_shared>>
      tpu.enqueue_dma source(%arg5 : memref<632x16xf32, #tpu.memory_space<hbm>>) target(%dma_start3A_38 : memref<632x16xf32, #tpu.memory_space<vmem_shared>>) target_semaphore(%run_scoped3A_36 : memref<!tpu.dma_semaphore, #tpu.memory_space<semaphore_mem>>)
      %dma_wait3A_39 = arith.constant 0 : i32
      %dma_wait3A_40 = tpu.memref_slice %arg11[%mul3A_2, %dma_wait3A_39] : memref<10112x16xf32, #tpu.memory_space<vmem_shared>> -> memref<632x16xf32, #tpu.memory_space<vmem_shared>>
      tpu.wait_dma2 semaphore(%run_scoped3A_36 : memref<!tpu.dma_semaphore, #tpu.memory_space<semaphore_mem>>) src(%arg5 : memref<632x16xf32, #tpu.memory_space<hbm>>) dst(%dma_wait3A_40 : memref<632x16xf32, #tpu.memory_space<vmem_shared>>)
      tpu.yield
    }) : () -> ()
    "tpu.region"() ({
      %run_scoped3A_36 = tpu.sem_alloc : memref<!tpu.dma_semaphore, #tpu.memory_space<semaphore_mem>>
      %dma_start3A_37 = arith.constant 0 : i32
      %dma_start3A_38 = arith.constant 0 : i32
      %dma_start3A_39 = tpu.memref_slice %arg3[%add3A, %dma_start3A_37, %dma_start3A_38] : memref<32x25x400xi32, #tpu.memory_space<hbm>> -> memref<1x25x400xi32, #tpu.memory_space<hbm>>
      %dma_start3A_40 = tpu.memref_squeeze %dma_start3A_39 : memref<1x25x400xi32, #tpu.memory_space<hbm>> -> memref<25x400xi32, #tpu.memory_space<hbm>>
      %dma_start3A_41 = arith.constant 0 : i32
      %dma_start3A_42 = arith.constant 0 : i32
      %dma_start3A_43 = tpu.memref_slice %arg3[%add3A, %dma_start3A_41, %dma_start3A_42] : memref<32x25x400xi32, #tpu.memory_space<hbm>> -> memref<1x25x400xi32, #tpu.memory_space<hbm>>
      %dma_start3A_44 = tpu.memref_squeeze %dma_start3A_43 : memref<1x25x400xi32, #tpu.memory_space<hbm>> -> memref<25x400xi32, #tpu.memory_space<hbm>>
      tpu.enqueue_dma source(%dma_start3A_44 : memref<25x400xi32, #tpu.memory_space<hbm>>) target(%arg7 : memref<25x400xi32, #tpu.memory_space<vmem>>) target_semaphore(%run_scoped3A_36 : memref<!tpu.dma_semaphore, #tpu.memory_space<semaphore_mem>>)
      %dma_wait3A_45 = arith.constant 0 : i32
      %dma_wait3A_46 = arith.constant 0 : i32
      %dma_wait3A_47 = tpu.memref_slice %arg3[%add3A, %dma_wait3A_45, %dma_wait3A_46] : memref<32x25x400xi32, #tpu.memory_space<hbm>> -> memref<1x25x400xi32, #tpu.memory_space<hbm>>
      %dma_wait3A_48 = tpu.memref_squeeze %dma_wait3A_47 : memref<1x25x400xi32, #tpu.memory_space<hbm>> -> memref<25x400xi32, #tpu.memory_space<hbm>>
      %dma_wait3A_49 = arith.constant 0 : i32
      %dma_wait3A_50 = arith.constant 0 : i32
      %dma_wait3A_51 = tpu.memref_slice %arg3[%add3A, %dma_wait3A_49, %dma_wait3A_50] : memref<32x25x400xi32, #tpu.memory_space<hbm>> -> memref<1x25x400xi32, #tpu.memory_space<hbm>>
      %dma_wait3A_52 = tpu.memref_squeeze %dma_wait3A_51 : memref<1x25x400xi32, #tpu.memory_space<hbm>> -> memref<25x400xi32, #tpu.memory_space<hbm>>
      tpu.wait_dma2 semaphore(%run_scoped3A_36 : memref<!tpu.dma_semaphore, #tpu.memory_space<semaphore_mem>>) src(%dma_wait3A_52 : memref<25x400xi32, #tpu.memory_space<hbm>>) dst(%arg7 : memref<25x400xi32, #tpu.memory_space<vmem>>)
      tpu.yield
    }) : () -> ()
    "tpu.region"() ({
      %run_scoped3A_36 = tpu.sem_alloc : memref<!tpu.dma_semaphore, #tpu.memory_space<semaphore_mem>>
      %dma_start3A_37 = arith.constant 0 : i32
      %dma_start3A_38 = arith.constant 0 : i32
      %dma_start3A_39 = tpu.memref_slice %arg4[%add3A, %dma_start3A_37, %dma_start3A_38] : memref<32x25x400xi32, #tpu.memory_space<hbm>> -> memref<1x25x400xi32, #tpu.memory_space<hbm>>
      %dma_start3A_40 = tpu.memref_squeeze %dma_start3A_39 : memref<1x25x400xi32, #tpu.memory_space<hbm>> -> memref<25x400xi32, #tpu.memory_space<hbm>>
      %dma_start3A_41 = arith.constant 0 : i32
      %dma_start3A_42 = arith.constant 0 : i32
      %dma_start3A_43 = tpu.memref_slice %arg4[%add3A, %dma_start3A_41, %dma_start3A_42] : memref<32x25x400xi32, #tpu.memory_space<hbm>> -> memref<1x25x400xi32, #tpu.memory_space<hbm>>
      %dma_start3A_44 = tpu.memref_squeeze %dma_start3A_43 : memref<1x25x400xi32, #tpu.memory_space<hbm>> -> memref<25x400xi32, #tpu.memory_space<hbm>>
      tpu.enqueue_dma source(%dma_start3A_44 : memref<25x400xi32, #tpu.memory_space<hbm>>) target(%arg8 : memref<25x400xi32, #tpu.memory_space<vmem>>) target_semaphore(%run_scoped3A_36 : memref<!tpu.dma_semaphore, #tpu.memory_space<semaphore_mem>>)
      %dma_wait3A_45 = arith.constant 0 : i32
      %dma_wait3A_46 = arith.constant 0 : i32
      %dma_wait3A_47 = tpu.memref_slice %arg4[%add3A, %dma_wait3A_45, %dma_wait3A_46] : memref<32x25x400xi32, #tpu.memory_space<hbm>> -> memref<1x25x400xi32, #tpu.memory_space<hbm>>
      %dma_wait3A_48 = tpu.memref_squeeze %dma_wait3A_47 : memref<1x25x400xi32, #tpu.memory_space<hbm>> -> memref<25x400xi32, #tpu.memory_space<hbm>>
      %dma_wait3A_49 = arith.constant 0 : i32
      %dma_wait3A_50 = arith.constant 0 : i32
      %dma_wait3A_51 = tpu.memref_slice %arg4[%add3A, %dma_wait3A_49, %dma_wait3A_50] : memref<32x25x400xi32, #tpu.memory_space<hbm>> -> memref<1x25x400xi32, #tpu.memory_space<hbm>>
      %dma_wait3A_52 = tpu.memref_squeeze %dma_wait3A_51 : memref<1x25x400xi32, #tpu.memory_space<hbm>> -> memref<25x400xi32, #tpu.memory_space<hbm>>
      tpu.wait_dma2 semaphore(%run_scoped3A_36 : memref<!tpu.dma_semaphore, #tpu.memory_space<semaphore_mem>>) src(%dma_wait3A_52 : memref<25x400xi32, #tpu.memory_space<hbm>>) dst(%arg8 : memref<25x400xi32, #tpu.memory_space<vmem>>)
      tpu.yield
    }) : () -> ()
    %mul3A_3 = arith.constant 625 : i32
    %mul3A_4 = arith.muli %arg1, %mul3A_3 : i32
    %mul3A_5 = arith.constant 625 : i32
    %mul3A_6 = arith.muli %arg1, %mul3A_5 : i32
    "tpu.region"() ({
      %run_scoped3A_36 = tpu.sem_alloc : memref<!tpu.dma_semaphore, #tpu.memory_space<semaphore_mem>>
      %dma_start3A_37 = arith.constant 0 : i32
      %dma_start3A_38 = tpu.memref_slice %arg10[%mul3A_6, %dma_start3A_37] : memref<10000x16xf32, #tpu.memory_space<vmem_shared>> -> memref<625x16xf32, #tpu.memory_space<vmem_shared>>
      %dma_start3A_39 = arith.constant 0 : i32
      %dma_start3A_40 = tpu.memref_slice %arg2[%mul3A_4, %dma_start3A_39] : memref<10000x16xf32, #tpu.memory_space<hbm>> -> memref<625x16xf32, #tpu.memory_space<hbm>>
      tpu.enqueue_dma source(%dma_start3A_40 : memref<625x16xf32, #tpu.memory_space<hbm>>) target(%dma_start3A_38 : memref<625x16xf32, #tpu.memory_space<vmem_shared>>) target_semaphore(%run_scoped3A_36 : memref<!tpu.dma_semaphore, #tpu.memory_space<semaphore_mem>>)
      %dma_wait3A_41 = arith.constant 0 : i32
      %dma_wait3A_42 = tpu.memref_slice %arg10[%mul3A_6, %dma_wait3A_41] : memref<10000x16xf32, #tpu.memory_space<vmem_shared>> -> memref<625x16xf32, #tpu.memory_space<vmem_shared>>
      %dma_wait3A_43 = arith.constant 0 : i32
      %dma_wait3A_44 = tpu.memref_slice %arg2[%mul3A_4, %dma_wait3A_43] : memref<10000x16xf32, #tpu.memory_space<hbm>> -> memref<625x16xf32, #tpu.memory_space<hbm>>
      tpu.wait_dma2 semaphore(%run_scoped3A_36 : memref<!tpu.dma_semaphore, #tpu.memory_space<semaphore_mem>>) src(%dma_wait3A_44 : memref<625x16xf32, #tpu.memory_space<hbm>>) dst(%dma_wait3A_42 : memref<625x16xf32, #tpu.memory_space<vmem_shared>>)
      tpu.yield
    }) : () -> ()
    %barrier3A = arith.constant 0 : index
    tpu.barrier barrier_id(%barrier3A)
    %dma_start3A = arith.constant 0 : i32
    %dma_start3A_7 = arith.constant 0 : i32
    %dma_start3A_8 = arith.constant 0 : i32
    %dma_start3A_9 = arith.constant 0 : i32
    %dma_start3A_10 = tpu.memref_slice %arg9[%dma_start3A_7, %dma_start3A_8, %dma_start3A_9] : memref<2x400x16xf32, #tpu.memory_space<vmem>> -> memref<1x400x16xf32, #tpu.memory_space<vmem>>
    %dma_start3A_11 = tpu.memref_squeeze %dma_start3A_10 : memref<1x400x16xf32, #tpu.memory_space<vmem>> -> memref<400x16xf32, #tpu.memory_space<vmem>>
    %dma_start3A_12 = arith.constant 0 : i32
    %dma_start3A_13 = tpu.memref_slice %arg7[%dma_start3A, %dma_start3A_12] : memref<25x400xi32, #tpu.memory_space<vmem>> -> memref<1x400xi32, #tpu.memory_space<vmem>>
    %dma_start3A_14 = tpu.memref_squeeze %dma_start3A_13 : memref<1x400xi32, #tpu.memory_space<vmem>> -> memref<400xi32, #tpu.memory_space<vmem>>
    %dma_start3A_15 = arith.constant 0 : i32
    %dma_start3A_16 = arith.constant 0 : i32
    %dma_start3A_17 = tpu.memref_slice %arg10[%dma_start3A_15, %dma_start3A_16] : memref<10000x16xf32, #tpu.memory_space<vmem_shared>> -> memref<10000x16xf32, #tpu.memory_space<vmem_shared>>
    tpu.enqueue_indirect_dma source(%dma_start3A_17 : memref<10000x16xf32, #tpu.memory_space<vmem_shared>>) target(%dma_start3A_11 : memref<400x16xf32, #tpu.memory_space<vmem>>) offsets(%dma_start3A_14 : memref<400xi32, #tpu.memory_space<vmem>>) semaphore(%arg12 : memref<!tpu.dma_semaphore, #tpu.memory_space<semaphore_mem>>)
    %scan3A = arith.constant 0 : i32
    %scan3A_18 = arith.constant 0 : i32
    %scan3A_19 = arith.constant 12 : i32
    %scan3A_20 = arith.addi %scan3A_18, %scan3A_19 : i32
    %scan3A_21 = arith.constant 1 : i32
    scf.for %scan3A_36 = %scan3A_18 to %scan3A_20 step %scan3A_21  : i32 {
      %mul3A_37 = arith.constant 2 : i32
      %mul3A_38 = arith.muli %scan3A_36, %mul3A_37 : i32
      %add3A_39 = arith.constant 1 : i32
      %add3A_40 = arith.addi %mul3A_38, %add3A_39 : i32
      %dma_start3A_41 = arith.constant 1 : i32
      %dma_start3A_42 = arith.constant 0 : i32
      %dma_start3A_43 = arith.constant 0 : i32
      %dma_start3A_44 = tpu.memref_slice %arg9[%dma_start3A_41, %dma_start3A_42, %dma_start3A_43] : memref<2x400x16xf32, #tpu.memory_space<vmem>> -> memref<1x400x16xf32, #tpu.memory_space<vmem>>
      %dma_start3A_45 = tpu.memref_squeeze %dma_start3A_44 : memref<1x400x16xf32, #tpu.memory_space<vmem>> -> memref<400x16xf32, #tpu.memory_space<vmem>>
      %dma_start3A_46 = arith.constant 0 : i32
      %dma_start3A_47 = tpu.memref_slice %arg7[%add3A_40, %dma_start3A_46] : memref<25x400xi32, #tpu.memory_space<vmem>> -> memref<1x400xi32, #tpu.memory_space<vmem>>
      %dma_start3A_48 = tpu.memref_squeeze %dma_start3A_47 : memref<1x400xi32, #tpu.memory_space<vmem>> -> memref<400xi32, #tpu.memory_space<vmem>>
      %dma_start3A_49 = arith.constant 0 : i32
      %dma_start3A_50 = arith.constant 0 : i32
      %dma_start3A_51 = tpu.memref_slice %arg10[%dma_start3A_49, %dma_start3A_50] : memref<10000x16xf32, #tpu.memory_space<vmem_shared>> -> memref<10000x16xf32, #tpu.memory_space<vmem_shared>>
      tpu.enqueue_indirect_dma source(%dma_start3A_51 : memref<10000x16xf32, #tpu.memory_space<vmem_shared>>) target(%dma_start3A_45 : memref<400x16xf32, #tpu.memory_space<vmem>>) offsets(%dma_start3A_48 : memref<400xi32, #tpu.memory_space<vmem>>) semaphore(%arg13 : memref<!tpu.dma_semaphore, #tpu.memory_space<semaphore_mem>>)
      %dma_wait3A_52 = arith.constant 0 : i32
      %dma_wait3A_53 = arith.constant 0 : i32
      %dma_wait3A_54 = arith.constant 0 : i32
      %dma_wait3A_55 = arith.constant 0 : i32
      %dma_wait3A_56 = tpu.memref_slice %arg9[%dma_wait3A_53, %dma_wait3A_54, %dma_wait3A_55] : memref<2x400x16xf32, #tpu.memory_space<vmem>> -> memref<1x400x16xf32, #tpu.memory_space<vmem>>
      %dma_wait3A_57 = tpu.memref_squeeze %dma_wait3A_56 : memref<1x400x16xf32, #tpu.memory_space<vmem>> -> memref<400x16xf32, #tpu.memory_space<vmem>>
      %dma_wait3A_58 = arith.constant 0 : i32
      %dma_wait3A_59 = tpu.memref_slice %arg7[%dma_wait3A_52, %dma_wait3A_58] : memref<25x400xi32, #tpu.memory_space<vmem>> -> memref<1x400xi32, #tpu.memory_space<vmem>>
      %dma_wait3A_60 = tpu.memref_squeeze %dma_wait3A_59 : memref<1x400xi32, #tpu.memory_space<vmem>> -> memref<400xi32, #tpu.memory_space<vmem>>
      %dma_wait3A_61 = arith.constant 0 : i32
      %dma_wait3A_62 = arith.constant 0 : i32
      %dma_wait3A_63 = tpu.memref_slice %arg10[%dma_wait3A_61, %dma_wait3A_62] : memref<10000x16xf32, #tpu.memory_space<vmem_shared>> -> memref<10000x16xf32, #tpu.memory_space<vmem_shared>>
      tpu.wait_indirect_dma semaphore(%arg12 : memref<!tpu.dma_semaphore, #tpu.memory_space<semaphore_mem>>) src(%dma_wait3A_63 : memref<10000x16xf32, #tpu.memory_space<vmem_shared>>) dst(%dma_wait3A_57 : memref<400x16xf32, #tpu.memory_space<vmem>>)
      %run_scoped3A_64 = arith.constant 0 : i32
      "tpu.region"() ({
        %run_scoped3A_84 = tpu.sem_alloc : memref<!tpu.dma_semaphore, #tpu.memory_space<semaphore_mem>>
        %dma_start3A_85 = arith.constant 0 : i32
        %dma_start3A_86 = arith.constant 0 : i32
        %dma_start3A_87 = tpu.memref_slice %arg9[%run_scoped3A_64, %dma_start3A_85, %dma_start3A_86] : memref<2x400x16xf32, #tpu.memory_space<vmem>> -> memref<1x400x16xf32, #tpu.memory_space<vmem>>
        %dma_start3A_88 = tpu.memref_squeeze %dma_start3A_87 : memref<1x400x16xf32, #tpu.memory_space<vmem>> -> memref<400x16xf32, #tpu.memory_space<vmem>>
        %dma_start3A_89 = arith.constant 0 : i32
        %dma_start3A_90 = tpu.memref_slice %arg8[%mul3A_38, %dma_start3A_89] : memref<25x400xi32, #tpu.memory_space<vmem>> -> memref<1x400xi32, #tpu.memory_space<vmem>>
        %dma_start3A_91 = tpu.memref_squeeze %dma_start3A_90 : memref<1x400xi32, #tpu.memory_space<vmem>> -> memref<400xi32, #tpu.memory_space<vmem>>
        %dma_start3A_92 = arith.constant 0 : i32
        %dma_start3A_93 = arith.constant 0 : i32
        %dma_start3A_94 = tpu.memref_slice %arg11[%dma_start3A_92, %dma_start3A_93] : memref<10112x16xf32, #tpu.memory_space<vmem_shared>> -> memref<10112x16xf32, #tpu.memory_space<vmem_shared>>
        tpu.enqueue_indirect_dma source(%dma_start3A_88 : memref<400x16xf32, #tpu.memory_space<vmem>>) target(%dma_start3A_94 : memref<10112x16xf32, #tpu.memory_space<vmem_shared>>) offsets(%dma_start3A_91 : memref<400xi32, #tpu.memory_space<vmem>>) semaphore(%run_scoped3A_84 : memref<!tpu.dma_semaphore, #tpu.memory_space<semaphore_mem>>) {add = true}
        %dma_wait3A_95 = arith.constant 0 : i32
        %dma_wait3A_96 = arith.constant 0 : i32
        %dma_wait3A_97 = tpu.memref_slice %arg9[%run_scoped3A_64, %dma_wait3A_95, %dma_wait3A_96] : memref<2x400x16xf32, #tpu.memory_space<vmem>> -> memref<1x400x16xf32, #tpu.memory_space<vmem>>
        %dma_wait3A_98 = tpu.memref_squeeze %dma_wait3A_97 : memref<1x400x16xf32, #tpu.memory_space<vmem>> -> memref<400x16xf32, #tpu.memory_space<vmem>>
        %dma_wait3A_99 = arith.constant 0 : i32
        %dma_wait3A_100 = tpu.memref_slice %arg8[%mul3A_38, %dma_wait3A_99] : memref<25x400xi32, #tpu.memory_space<vmem>> -> memref<1x400xi32, #tpu.memory_space<vmem>>
        %dma_wait3A_101 = tpu.memref_squeeze %dma_wait3A_100 : memref<1x400xi32, #tpu.memory_space<vmem>> -> memref<400xi32, #tpu.memory_space<vmem>>
        %dma_wait3A_102 = arith.constant 0 : i32
        %dma_wait3A_103 = arith.constant 0 : i32
        %dma_wait3A_104 = tpu.memref_slice %arg11[%dma_wait3A_102, %dma_wait3A_103] : memref<10112x16xf32, #tpu.memory_space<vmem_shared>> -> memref<10112x16xf32, #tpu.memory_space<vmem_shared>>
        tpu.wait_indirect_dma semaphore(%run_scoped3A_84 : memref<!tpu.dma_semaphore, #tpu.memory_space<semaphore_mem>>) src(%dma_wait3A_98 : memref<400x16xf32, #tpu.memory_space<vmem>>) dst(%dma_wait3A_104 : memref<10112x16xf32, #tpu.memory_space<vmem_shared>>)
        tpu.yield
      }) : () -> ()
      %add3A_65 = arith.constant 2 : i32
      %add3A_66 = arith.addi %mul3A_38, %add3A_65 : i32
      %lt3A = arith.constant 25 : i32
      %lt3A_67 = arith.cmpi slt, %add3A_66, %lt3A : i32
      %convert_element_type3A = arith.extui %lt3A_67 : i1 to i32
      %cond3A = arith.constant 0 : i32
      %cond3A_68 = arith.cmpi ne, %convert_element_type3A, %cond3A : i32
      scf.if %cond3A_68 {
        %add3A_84 = arith.constant 2 : i32
        %add3A_85 = arith.addi %mul3A_38, %add3A_84 : i32
        %dma_start3A_86 = arith.constant 0 : i32
        %dma_start3A_87 = arith.constant 0 : i32
        %dma_start3A_88 = arith.constant 0 : i32
        %dma_start3A_89 = tpu.memref_slice %arg9[%dma_start3A_86, %dma_start3A_87, %dma_start3A_88] : memref<2x400x16xf32, #tpu.memory_space<vmem>> -> memref<1x400x16xf32, #tpu.memory_space<vmem>>
        %dma_start3A_90 = tpu.memref_squeeze %dma_start3A_89 : memref<1x400x16xf32, #tpu.memory_space<vmem>> -> memref<400x16xf32, #tpu.memory_space<vmem>>
        %dma_start3A_91 = arith.constant 0 : i32
        %dma_start3A_92 = tpu.memref_slice %arg7[%add3A_85, %dma_start3A_91] : memref<25x400xi32, #tpu.memory_space<vmem>> -> memref<1x400xi32, #tpu.memory_space<vmem>>
        %dma_start3A_93 = tpu.memref_squeeze %dma_start3A_92 : memref<1x400xi32, #tpu.memory_space<vmem>> -> memref<400xi32, #tpu.memory_space<vmem>>
        %dma_start3A_94 = arith.constant 0 : i32
        %dma_start3A_95 = arith.constant 0 : i32
        %dma_start3A_96 = tpu.memref_slice %arg10[%dma_start3A_94, %dma_start3A_95] : memref<10000x16xf32, #tpu.memory_space<vmem_shared>> -> memref<10000x16xf32, #tpu.memory_space<vmem_shared>>
        tpu.enqueue_indirect_dma source(%dma_start3A_96 : memref<10000x16xf32, #tpu.memory_space<vmem_shared>>) target(%dma_start3A_90 : memref<400x16xf32, #tpu.memory_space<vmem>>) offsets(%dma_start3A_93 : memref<400xi32, #tpu.memory_space<vmem>>) semaphore(%arg12 : memref<!tpu.dma_semaphore, #tpu.memory_space<semaphore_mem>>)
      } else {
      }
      %dma_wait3A_69 = arith.constant 0 : i32
      %dma_wait3A_70 = arith.constant 1 : i32
      %dma_wait3A_71 = arith.constant 0 : i32
      %dma_wait3A_72 = arith.constant 0 : i32
      %dma_wait3A_73 = tpu.memref_slice %arg9[%dma_wait3A_70, %dma_wait3A_71, %dma_wait3A_72] : memref<2x400x16xf32, #tpu.memory_space<vmem>> -> memref<1x400x16xf32, #tpu.memory_space<vmem>>
      %dma_wait3A_74 = tpu.memref_squeeze %dma_wait3A_73 : memref<1x400x16xf32, #tpu.memory_space<vmem>> -> memref<400x16xf32, #tpu.memory_space<vmem>>
      %dma_wait3A_75 = arith.constant 0 : i32
      %dma_wait3A_76 = tpu.memref_slice %arg7[%dma_wait3A_69, %dma_wait3A_75] : memref<25x400xi32, #tpu.memory_space<vmem>> -> memref<1x400xi32, #tpu.memory_space<vmem>>
      %dma_wait3A_77 = tpu.memref_squeeze %dma_wait3A_76 : memref<1x400xi32, #tpu.memory_space<vmem>> -> memref<400xi32, #tpu.memory_space<vmem>>
      %dma_wait3A_78 = arith.constant 0 : i32
      %dma_wait3A_79 = arith.constant 0 : i32
      %dma_wait3A_80 = tpu.memref_slice %arg10[%dma_wait3A_78, %dma_wait3A_79] : memref<10000x16xf32, #tpu.memory_space<vmem_shared>> -> memref<10000x16xf32, #tpu.memory_space<vmem_shared>>
      tpu.wait_indirect_dma semaphore(%arg13 : memref<!tpu.dma_semaphore, #tpu.memory_space<semaphore_mem>>) src(%dma_wait3A_80 : memref<10000x16xf32, #tpu.memory_space<vmem_shared>>) dst(%dma_wait3A_74 : memref<400x16xf32, #tpu.memory_space<vmem>>)
      %add3A_81 = arith.constant 1 : i32
      %add3A_82 = arith.addi %mul3A_38, %add3A_81 : i32
      %run_scoped3A_83 = arith.constant 1 : i32
      "tpu.region"() ({
        %run_scoped3A_84 = tpu.sem_alloc : memref<!tpu.dma_semaphore, #tpu.memory_space<semaphore_mem>>
        %dma_start3A_85 = arith.constant 0 : i32
        %dma_start3A_86 = arith.constant 0 : i32
        %dma_start3A_87 = tpu.memref_slice %arg9[%run_scoped3A_83, %dma_start3A_85, %dma_start3A_86] : memref<2x400x16xf32, #tpu.memory_space<vmem>> -> memref<1x400x16xf32, #tpu.memory_space<vmem>>
        %dma_start3A_88 = tpu.memref_squeeze %dma_start3A_87 : memref<1x400x16xf32, #tpu.memory_space<vmem>> -> memref<400x16xf32, #tpu.memory_space<vmem>>
        %dma_start3A_89 = arith.constant 0 : i32
        %dma_start3A_90 = tpu.memref_slice %arg8[%add3A_82, %dma_start3A_89] : memref<25x400xi32, #tpu.memory_space<vmem>> -> memref<1x400xi32, #tpu.memory_space<vmem>>
        %dma_start3A_91 = tpu.memref_squeeze %dma_start3A_90 : memref<1x400xi32, #tpu.memory_space<vmem>> -> memref<400xi32, #tpu.memory_space<vmem>>
        %dma_start3A_92 = arith.constant 0 : i32
        %dma_start3A_93 = arith.constant 0 : i32
        %dma_start3A_94 = tpu.memref_slice %arg11[%dma_start3A_92, %dma_start3A_93] : memref<10112x16xf32, #tpu.memory_space<vmem_shared>> -> memref<10112x16xf32, #tpu.memory_space<vmem_shared>>
        tpu.enqueue_indirect_dma source(%dma_start3A_88 : memref<400x16xf32, #tpu.memory_space<vmem>>) target(%dma_start3A_94 : memref<10112x16xf32, #tpu.memory_space<vmem_shared>>) offsets(%dma_start3A_91 : memref<400xi32, #tpu.memory_space<vmem>>) semaphore(%run_scoped3A_84 : memref<!tpu.dma_semaphore, #tpu.memory_space<semaphore_mem>>) {add = true}
        %dma_wait3A_95 = arith.constant 0 : i32
        %dma_wait3A_96 = arith.constant 0 : i32
        %dma_wait3A_97 = tpu.memref_slice %arg9[%run_scoped3A_83, %dma_wait3A_95, %dma_wait3A_96] : memref<2x400x16xf32, #tpu.memory_space<vmem>> -> memref<1x400x16xf32, #tpu.memory_space<vmem>>
        %dma_wait3A_98 = tpu.memref_squeeze %dma_wait3A_97 : memref<1x400x16xf32, #tpu.memory_space<vmem>> -> memref<400x16xf32, #tpu.memory_space<vmem>>
        %dma_wait3A_99 = arith.constant 0 : i32
        %dma_wait3A_100 = tpu.memref_slice %arg8[%add3A_82, %dma_wait3A_99] : memref<25x400xi32, #tpu.memory_space<vmem>> -> memref<1x400xi32, #tpu.memory_space<vmem>>
        %dma_wait3A_101 = tpu.memref_squeeze %dma_wait3A_100 : memref<1x400xi32, #tpu.memory_space<vmem>> -> memref<400xi32, #tpu.memory_space<vmem>>
        %dma_wait3A_102 = arith.constant 0 : i32
        %dma_wait3A_103 = arith.constant 0 : i32
        %dma_wait3A_104 = tpu.memref_slice %arg11[%dma_wait3A_102, %dma_wait3A_103] : memref<10112x16xf32, #tpu.memory_space<vmem_shared>> -> memref<10112x16xf32, #tpu.memory_space<vmem_shared>>
        tpu.wait_indirect_dma semaphore(%run_scoped3A_84 : memref<!tpu.dma_semaphore, #tpu.memory_space<semaphore_mem>>) src(%dma_wait3A_98 : memref<400x16xf32, #tpu.memory_space<vmem>>) dst(%dma_wait3A_104 : memref<10112x16xf32, #tpu.memory_space<vmem_shared>>)
        tpu.yield
      }) : () -> ()
    }
    %scan3A_22 = arith.constant 12 : i32
    %dma_wait3A = arith.constant 0 : i32
    %dma_wait3A_23 = arith.constant 0 : i32
    %dma_wait3A_24 = arith.constant 0 : i32
    %dma_wait3A_25 = arith.constant 0 : i32
    %dma_wait3A_26 = tpu.memref_slice %arg9[%dma_wait3A_23, %dma_wait3A_24, %dma_wait3A_25] : memref<2x400x16xf32, #tpu.memory_space<vmem>> -> memref<1x400x16xf32, #tpu.memory_space<vmem>>
    %dma_wait3A_27 = tpu.memref_squeeze %dma_wait3A_26 : memref<1x400x16xf32, #tpu.memory_space<vmem>> -> memref<400x16xf32, #tpu.memory_space<vmem>>
    %dma_wait3A_28 = arith.constant 0 : i32
    %dma_wait3A_29 = tpu.memref_slice %arg7[%dma_wait3A, %dma_wait3A_28] : memref<25x400xi32, #tpu.memory_space<vmem>> -> memref<1x400xi32, #tpu.memory_space<vmem>>
    %dma_wait3A_30 = tpu.memref_squeeze %dma_wait3A_29 : memref<1x400xi32, #tpu.memory_space<vmem>> -> memref<400xi32, #tpu.memory_space<vmem>>
    %dma_wait3A_31 = arith.constant 0 : i32
    %dma_wait3A_32 = arith.constant 0 : i32
    %dma_wait3A_33 = tpu.memref_slice %arg10[%dma_wait3A_31, %dma_wait3A_32] : memref<10000x16xf32, #tpu.memory_space<vmem_shared>> -> memref<10000x16xf32, #tpu.memory_space<vmem_shared>>
    tpu.wait_indirect_dma semaphore(%arg12 : memref<!tpu.dma_semaphore, #tpu.memory_space<semaphore_mem>>) src(%dma_wait3A_33 : memref<10000x16xf32, #tpu.memory_space<vmem_shared>>) dst(%dma_wait3A_27 : memref<400x16xf32, #tpu.memory_space<vmem>>)
    %run_scoped3A = arith.constant 0 : i32
    %run_scoped3A_34 = arith.constant 24 : i32
    "tpu.region"() ({
      %run_scoped3A_36 = tpu.sem_alloc : memref<!tpu.dma_semaphore, #tpu.memory_space<semaphore_mem>>
      %dma_start3A_37 = arith.constant 0 : i32
      %dma_start3A_38 = arith.constant 0 : i32
      %dma_start3A_39 = tpu.memref_slice %arg9[%run_scoped3A, %dma_start3A_37, %dma_start3A_38] : memref<2x400x16xf32, #tpu.memory_space<vmem>> -> memref<1x400x16xf32, #tpu.memory_space<vmem>>
      %dma_start3A_40 = tpu.memref_squeeze %dma_start3A_39 : memref<1x400x16xf32, #tpu.memory_space<vmem>> -> memref<400x16xf32, #tpu.memory_space<vmem>>
      %dma_start3A_41 = arith.constant 0 : i32
      %dma_start3A_42 = tpu.memref_slice %arg8[%run_scoped3A_34, %dma_start3A_41] : memref<25x400xi32, #tpu.memory_space<vmem>> -> memref<1x400xi32, #tpu.memory_space<vmem>>
      %dma_start3A_43 = tpu.memref_squeeze %dma_start3A_42 : memref<1x400xi32, #tpu.memory_space<vmem>> -> memref<400xi32, #tpu.memory_space<vmem>>
      %dma_start3A_44 = arith.constant 0 : i32
      %dma_start3A_45 = arith.constant 0 : i32
      %dma_start3A_46 = tpu.memref_slice %arg11[%dma_start3A_44, %dma_start3A_45] : memref<10112x16xf32, #tpu.memory_space<vmem_shared>> -> memref<10112x16xf32, #tpu.memory_space<vmem_shared>>
      tpu.enqueue_indirect_dma source(%dma_start3A_40 : memref<400x16xf32, #tpu.memory_space<vmem>>) target(%dma_start3A_46 : memref<10112x16xf32, #tpu.memory_space<vmem_shared>>) offsets(%dma_start3A_43 : memref<400xi32, #tpu.memory_space<vmem>>) semaphore(%run_scoped3A_36 : memref<!tpu.dma_semaphore, #tpu.memory_space<semaphore_mem>>) {add = true}
      %dma_wait3A_47 = arith.constant 0 : i32
      %dma_wait3A_48 = arith.constant 0 : i32
      %dma_wait3A_49 = tpu.memref_slice %arg9[%run_scoped3A, %dma_wait3A_47, %dma_wait3A_48] : memref<2x400x16xf32, #tpu.memory_space<vmem>> -> memref<1x400x16xf32, #tpu.memory_space<vmem>>
      %dma_wait3A_50 = tpu.memref_squeeze %dma_wait3A_49 : memref<1x400x16xf32, #tpu.memory_space<vmem>> -> memref<400x16xf32, #tpu.memory_space<vmem>>
      %dma_wait3A_51 = arith.constant 0 : i32
      %dma_wait3A_52 = tpu.memref_slice %arg8[%run_scoped3A_34, %dma_wait3A_51] : memref<25x400xi32, #tpu.memory_space<vmem>> -> memref<1x400xi32, #tpu.memory_space<vmem>>
      %dma_wait3A_53 = tpu.memref_squeeze %dma_wait3A_52 : memref<1x400xi32, #tpu.memory_space<vmem>> -> memref<400xi32, #tpu.memory_space<vmem>>
      %dma_wait3A_54 = arith.constant 0 : i32
      %dma_wait3A_55 = arith.constant 0 : i32
      %dma_wait3A_56 = tpu.memref_slice %arg11[%dma_wait3A_54, %dma_wait3A_55] : memref<10112x16xf32, #tpu.memory_space<vmem_shared>> -> memref<10112x16xf32, #tpu.memory_space<vmem_shared>>
      tpu.wait_indirect_dma semaphore(%run_scoped3A_36 : memref<!tpu.dma_semaphore, #tpu.memory_space<semaphore_mem>>) src(%dma_wait3A_50 : memref<400x16xf32, #tpu.memory_space<vmem>>) dst(%dma_wait3A_56 : memref<10112x16xf32, #tpu.memory_space<vmem_shared>>)
      tpu.yield
    }) : () -> ()
    %barrier3A_35 = arith.constant 0 : index
    tpu.barrier barrier_id(%barrier3A_35)
    "tpu.region"() ({
      %run_scoped3A_36 = tpu.sem_alloc : memref<!tpu.dma_semaphore, #tpu.memory_space<semaphore_mem>>
      %dma_start3A_37 = arith.constant 0 : i32
      %dma_start3A_38 = tpu.memref_slice %arg6[%arg0, %mul3A_2, %dma_start3A_37] : memref<2x10112x16xf32, #tpu.memory_space<hbm>> -> memref<1x632x16xf32, #tpu.memory_space<hbm>>
      %dma_start3A_39 = tpu.memref_squeeze %dma_start3A_38 : memref<1x632x16xf32, #tpu.memory_space<hbm>> -> memref<632x16xf32, #tpu.memory_space<hbm>>
      %dma_start3A_40 = arith.constant 0 : i32
      %dma_start3A_41 = tpu.memref_slice %arg11[%mul3A_2, %dma_start3A_40] : memref<10112x16xf32, #tpu.memory_space<vmem_shared>> -> memref<632x16xf32, #tpu.memory_space<vmem_shared>>
      tpu.enqueue_dma source(%dma_start3A_41 : memref<632x16xf32, #tpu.memory_space<vmem_shared>>) target(%dma_start3A_39 : memref<632x16xf32, #tpu.memory_space<hbm>>) target_semaphore(%run_scoped3A_36 : memref<!tpu.dma_semaphore, #tpu.memory_space<semaphore_mem>>)
      %dma_wait3A_42 = arith.constant 0 : i32
      %dma_wait3A_43 = tpu.memref_slice %arg6[%arg0, %mul3A_2, %dma_wait3A_42] : memref<2x10112x16xf32, #tpu.memory_space<hbm>> -> memref<1x632x16xf32, #tpu.memory_space<hbm>>
      %dma_wait3A_44 = tpu.memref_squeeze %dma_wait3A_43 : memref<1x632x16xf32, #tpu.memory_space<hbm>> -> memref<632x16xf32, #tpu.memory_space<hbm>>
      %dma_wait3A_45 = arith.constant 0 : i32
      %dma_wait3A_46 = tpu.memref_slice %arg11[%mul3A_2, %dma_wait3A_45] : memref<10112x16xf32, #tpu.memory_space<vmem_shared>> -> memref<632x16xf32, #tpu.memory_space<vmem_shared>>
      tpu.wait_dma2 semaphore(%run_scoped3A_36 : memref<!tpu.dma_semaphore, #tpu.memory_space<semaphore_mem>>) src(%dma_wait3A_46 : memref<632x16xf32, #tpu.memory_space<vmem_shared>>) dst(%dma_wait3A_44 : memref<632x16xf32, #tpu.memory_space<hbm>>)
      tpu.yield
    }) : () -> ()
    return
  }
}

module attributes {stable_mosaic.version = 14 : i64} {
  func.func @_tc_in_body(%arg0: memref<10000x128xf32, #tpu.memory_space<vmem>>, %arg1: memref<128x32xf32, #tpu.memory_space<vmem>>, %arg2: memref<128x32xf32, #tpu.memory_space<vmem>>, %arg3: memref<1x32xf32, #tpu.memory_space<vmem>>, %arg4: memref<10000x32xf32, #tpu.memory_space<vmem>>, %arg5: memref<10000x32xf32, #tpu.memory_space<vmem>>) attributes {dimension_semantics = [], scalar_prefetch = 0 : i64, scratch_operands = 0 : i64, tpu.core_type = #tpu.core_type<tc>} {
    %get3A = arith.constant 0 : index
    %get3A_0 = arith.constant 0 : index
    %get3A_1 = vector.load %arg0[%get3A, %get3A_0] : memref<10000x128xf32, #tpu.memory_space<vmem>>, vector<10000x128xf32>
    %get3A_2 = arith.constant 0 : index
    %get3A_3 = arith.constant 0 : index
    %get3A_4 = vector.load %arg1[%get3A_2, %get3A_3] : memref<128x32xf32, #tpu.memory_space<vmem>>, vector<128x32xf32>
    %dot_general3A = arith.constant dense<0.000000e+00> : vector<10000x32xf32>
    %dot_general3A_5 = tpu.matmul %get3A_1, %get3A_4, %dot_general3A {dimension_numbers = #tpu.dot_dimension_numbers<[1], [0], [0], [1], [0, 0, 1, 1], [], []>, transpose_lhs_hint = false} : vector<10000x128xf32>, vector<128x32xf32>, vector<10000x32xf32> -> vector<10000x32xf32>
    %swap3A = arith.constant 0 : index
    %swap3A_6 = arith.constant 0 : index
    %swap3A_7 = vector.load %arg4[%swap3A, %swap3A_6] : memref<10000x32xf32, #tpu.memory_space<vmem>>, vector<10000x32xf32>
    tpu.vector_store %arg4[%swap3A, %swap3A_6], %dot_general3A_5 {strides = array<i32>} : memref<10000x32xf32, #tpu.memory_space<vmem>>, vector<10000x32xf32>,
    %get3A_8 = arith.constant 0 : index
    %get3A_9 = arith.constant 0 : index
    %get3A_10 = vector.load %arg2[%get3A_8, %get3A_9] : memref<128x32xf32, #tpu.memory_space<vmem>>, vector<128x32xf32>
    %dot_general3A_11 = arith.constant dense<0.000000e+00> : vector<10000x32xf32>
    %dot_general3A_12 = tpu.matmul %get3A_1, %get3A_10, %dot_general3A_11 {dimension_numbers = #tpu.dot_dimension_numbers<[1], [0], [0], [1], [0, 0, 1, 1], [], []>, transpose_lhs_hint = false} : vector<10000x128xf32>, vector<128x32xf32>, vector<10000x32xf32> -> vector<10000x32xf32>
    %get3A_13 = arith.constant 0 : index
    %get3A_14 = arith.constant 0 : index
    %get3A_15 = vector.load %arg3[%get3A_13, %get3A_14] : memref<1x32xf32, #tpu.memory_space<vmem>>, vector<1x32xf32>
    %add3A = vector.broadcast %get3A_15 : vector<1x32xf32> to vector<10000x32xf32>
    %add3A_16 = arith.addf %dot_general3A_12, %add3A : vector<10000x32xf32>
    %swap3A_17 = arith.constant 0 : index
    %swap3A_18 = arith.constant 0 : index
    %swap3A_19 = vector.load %arg5[%swap3A_17, %swap3A_18] : memref<10000x32xf32, #tpu.memory_space<vmem>>, vector<10000x32xf32>
    tpu.vector_store %arg5[%swap3A_17, %swap3A_18], %add3A_16 {strides = array<i32>} : memref<10000x32xf32, #tpu.memory_space<vmem>>, vector<10000x32xf32>,
    return
  }
}

module attributes {stable_mosaic.version = 14 : i64} {
  func.func @_tc_mid_body(%arg0: memref<2x10112x32xf32, #tpu.memory_space<vmem>>, %arg1: memref<2x10240x1xf32, #tpu.memory_space<vmem>>, %arg2: memref<10000x32xf32, #tpu.memory_space<vmem>>, %arg3: memref<32x16xf32, #tpu.memory_space<vmem>>, %arg4: memref<32x16xf32, #tpu.memory_space<vmem>>, %arg5: memref<1x16xf32, #tpu.memory_space<vmem>>, %arg6: memref<10000x16xf32, #tpu.memory_space<vmem>>, %arg7: memref<10000x16xf32, #tpu.memory_space<vmem>>) attributes {dimension_semantics = [], scalar_prefetch = 0 : i64, scratch_operands = 0 : i64, tpu.core_type = #tpu.core_type<tc>} {
    %get3A = arith.constant 0 : index
    %get3A_0 = arith.constant 0 : index
    %get3A_1 = arith.constant 0 : index
    %get3A_2 = vector.load %arg0[%get3A, %get3A_0, %get3A_1] : memref<2x10112x32xf32, #tpu.memory_space<vmem>>, vector<1x10000x32xf32>
    %get3A_3 = vector.shape_cast %get3A_2 : vector<1x10000x32xf32> to vector<10000x32xf32>
    %get3A_4 = arith.constant 1 : index
    %get3A_5 = arith.constant 0 : index
    %get3A_6 = arith.constant 0 : index
    %get3A_7 = vector.load %arg0[%get3A_4, %get3A_5, %get3A_6] : memref<2x10112x32xf32, #tpu.memory_space<vmem>>, vector<1x10000x32xf32>
    %get3A_8 = vector.shape_cast %get3A_7 : vector<1x10000x32xf32> to vector<10000x32xf32>
    %add3A = arith.addf %get3A_3, %get3A_8 : vector<10000x32xf32>
    %get3A_9 = arith.constant 0 : index
    %get3A_10 = arith.constant 0 : index
    %get3A_11 = arith.constant 0 : index
    %get3A_12 = vector.load %arg1[%get3A_9, %get3A_10, %get3A_11] : memref<2x10240x1xf32, #tpu.memory_space<vmem>>, vector<1x10000x1xf32>
    %get3A_13 = vector.shape_cast %get3A_12 : vector<1x10000x1xf32> to vector<10000x1xf32>
    %get3A_14 = arith.constant 1 : index
    %get3A_15 = arith.constant 0 : index
    %get3A_16 = arith.constant 0 : index
    %get3A_17 = vector.load %arg1[%get3A_14, %get3A_15, %get3A_16] : memref<2x10240x1xf32, #tpu.memory_space<vmem>>, vector<1x10000x1xf32>
    %get3A_18 = vector.shape_cast %get3A_17 : vector<1x10000x1xf32> to vector<10000x1xf32>
    %add3A_19 = arith.addf %get3A_13, %get3A_18 : vector<10000x1xf32>
    %max3A = arith.constant 1.000000e+00 : f32
    %max3A_20 = vector.broadcast %max3A : f32 to vector<10000x1xf32>
    %max3A_21 = arith.maximumf %add3A_19, %max3A_20 : vector<10000x1xf32>
    %div3A = vector.broadcast %max3A_21 : vector<10000x1xf32> to vector<10000x32xf32>
    %div3A_22 = arith.divf %add3A, %div3A : vector<10000x32xf32>
    %get3A_23 = arith.constant 0 : index
    %get3A_24 = arith.constant 0 : index
    %get3A_25 = vector.load %arg2[%get3A_23, %get3A_24] : memref<10000x32xf32, #tpu.memory_space<vmem>>, vector<10000x32xf32>
    %add3A_26 = arith.addf %div3A_22, %get3A_25 : vector<10000x32xf32>
    %max3A_27 = arith.constant 0.000000e+00 : f32
    %max3A_28 = vector.broadcast %max3A_27 : f32 to vector<10000x32xf32>
    %max3A_29 = arith.maximumf %add3A_26, %max3A_28 : vector<10000x32xf32>
    %get3A_30 = arith.constant 0 : index
    %get3A_31 = arith.constant 0 : index
    %get3A_32 = vector.load %arg3[%get3A_30, %get3A_31] : memref<32x16xf32, #tpu.memory_space<vmem>>, vector<32x16xf32>
    %dot_general3A = arith.constant dense<0.000000e+00> : vector<10000x16xf32>
    %dot_general3A_33 = tpu.matmul %max3A_29, %get3A_32, %dot_general3A {dimension_numbers = #tpu.dot_dimension_numbers<[1], [0], [0], [1], [0, 0, 1, 1], [], []>, transpose_lhs_hint = false} : vector<10000x32xf32>, vector<32x16xf32>, vector<10000x16xf32> -> vector<10000x16xf32>
    %swap3A = arith.constant 0 : index
    %swap3A_34 = arith.constant 0 : index
    %swap3A_35 = vector.load %arg6[%swap3A, %swap3A_34] : memref<10000x16xf32, #tpu.memory_space<vmem>>, vector<10000x16xf32>
    tpu.vector_store %arg6[%swap3A, %swap3A_34], %dot_general3A_33 {strides = array<i32>} : memref<10000x16xf32, #tpu.memory_space<vmem>>, vector<10000x16xf32>,
    %get3A_36 = arith.constant 0 : index
    %get3A_37 = arith.constant 0 : index
    %get3A_38 = vector.load %arg4[%get3A_36, %get3A_37] : memref<32x16xf32, #tpu.memory_space<vmem>>, vector<32x16xf32>
    %dot_general3A_39 = arith.constant dense<0.000000e+00> : vector<10000x16xf32>
    %dot_general3A_40 = tpu.matmul %max3A_29, %get3A_38, %dot_general3A_39 {dimension_numbers = #tpu.dot_dimension_numbers<[1], [0], [0], [1], [0, 0, 1, 1], [], []>, transpose_lhs_hint = false} : vector<10000x32xf32>, vector<32x16xf32>, vector<10000x16xf32> -> vector<10000x16xf32>
    %get3A_41 = arith.constant 0 : index
    %get3A_42 = arith.constant 0 : index
    %get3A_43 = vector.load %arg5[%get3A_41, %get3A_42] : memref<1x16xf32, #tpu.memory_space<vmem>>, vector<1x16xf32>
    %add3A_44 = vector.broadcast %get3A_43 : vector<1x16xf32> to vector<10000x16xf32>
    %add3A_45 = arith.addf %dot_general3A_40, %add3A_44 : vector<10000x16xf32>
    %swap3A_46 = arith.constant 0 : index
    %swap3A_47 = arith.constant 0 : index
    %swap3A_48 = vector.load %arg7[%swap3A_46, %swap3A_47] : memref<10000x16xf32, #tpu.memory_space<vmem>>, vector<10000x16xf32>
    tpu.vector_store %arg7[%swap3A_46, %swap3A_47], %add3A_45 {strides = array<i32>} : memref<10000x16xf32, #tpu.memory_space<vmem>>, vector<10000x16xf32>,
    return
  }
}

module attributes {stable_mosaic.version = 14 : i64} {
  func.func @_tc_out_body(%arg0: memref<2x10112x16xf32, #tpu.memory_space<vmem>>, %arg1: memref<2x10240x1xf32, #tpu.memory_space<vmem>>, %arg2: memref<10000x16xf32, #tpu.memory_space<vmem>>, %arg3: memref<16x1xf32, #tpu.memory_space<vmem>>, %arg4: memref<1x1xf32, #tpu.memory_space<vmem>>, %arg5: memref<10000x1xf32, #tpu.memory_space<vmem>>) attributes {dimension_semantics = [], scalar_prefetch = 0 : i64, scratch_operands = 0 : i64, tpu.core_type = #tpu.core_type<tc>} {
    %get3A = arith.constant 0 : index
    %get3A_0 = arith.constant 0 : index
    %get3A_1 = arith.constant 0 : index
    %get3A_2 = vector.load %arg0[%get3A, %get3A_0, %get3A_1] : memref<2x10112x16xf32, #tpu.memory_space<vmem>>, vector<1x10000x16xf32>
    %get3A_3 = vector.shape_cast %get3A_2 : vector<1x10000x16xf32> to vector<10000x16xf32>
    %get3A_4 = arith.constant 1 : index
    %get3A_5 = arith.constant 0 : index
    %get3A_6 = arith.constant 0 : index
    %get3A_7 = vector.load %arg0[%get3A_4, %get3A_5, %get3A_6] : memref<2x10112x16xf32, #tpu.memory_space<vmem>>, vector<1x10000x16xf32>
    %get3A_8 = vector.shape_cast %get3A_7 : vector<1x10000x16xf32> to vector<10000x16xf32>
    %add3A = arith.addf %get3A_3, %get3A_8 : vector<10000x16xf32>
    %get3A_9 = arith.constant 0 : index
    %get3A_10 = arith.constant 0 : index
    %get3A_11 = arith.constant 0 : index
    %get3A_12 = vector.load %arg1[%get3A_9, %get3A_10, %get3A_11] : memref<2x10240x1xf32, #tpu.memory_space<vmem>>, vector<1x10000x1xf32>
    %get3A_13 = vector.shape_cast %get3A_12 : vector<1x10000x1xf32> to vector<10000x1xf32>
    %get3A_14 = arith.constant 1 : index
    %get3A_15 = arith.constant 0 : index
    %get3A_16 = arith.constant 0 : index
    %get3A_17 = vector.load %arg1[%get3A_14, %get3A_15, %get3A_16] : memref<2x10240x1xf32, #tpu.memory_space<vmem>>, vector<1x10000x1xf32>
    %get3A_18 = vector.shape_cast %get3A_17 : vector<1x10000x1xf32> to vector<10000x1xf32>
    %add3A_19 = arith.addf %get3A_13, %get3A_18 : vector<10000x1xf32>
    %max3A = arith.constant 1.000000e+00 : f32
    %max3A_20 = vector.broadcast %max3A : f32 to vector<10000x1xf32>
    %max3A_21 = arith.maximumf %add3A_19, %max3A_20 : vector<10000x1xf32>
    %div3A = vector.broadcast %max3A_21 : vector<10000x1xf32> to vector<10000x16xf32>
    %div3A_22 = arith.divf %add3A, %div3A : vector<10000x16xf32>
    %get3A_23 = arith.constant 0 : index
    %get3A_24 = arith.constant 0 : index
    %get3A_25 = vector.load %arg2[%get3A_23, %get3A_24] : memref<10000x16xf32, #tpu.memory_space<vmem>>, vector<10000x16xf32>
    %add3A_26 = arith.addf %div3A_22, %get3A_25 : vector<10000x16xf32>
    %max3A_27 = arith.constant 0.000000e+00 : f32
    %max3A_28 = vector.broadcast %max3A_27 : f32 to vector<10000x16xf32>
    %max3A_29 = arith.maximumf %add3A_26, %max3A_28 : vector<10000x16xf32>
    %get3A_30 = arith.constant 0 : index
    %get3A_31 = arith.constant 0 : index
    %get3A_32 = vector.load %arg3[%get3A_30, %get3A_31] : memref<16x1xf32, #tpu.memory_space<vmem>>, vector<16x1xf32>
    %dot_general3A = arith.constant dense<0.000000e+00> : vector<10000x1xf32>
    %dot_general3A_33 = tpu.matmul %max3A_29, %get3A_32, %dot_general3A {dimension_numbers = #tpu.dot_dimension_numbers<[1], [0], [0], [1], [0, 0, 1, 1], [], []>, transpose_lhs_hint = false} : vector<10000x16xf32>, vector<16x1xf32>, vector<10000x1xf32> -> vector<10000x1xf32>
    %get3A_34 = arith.constant 0 : index
    %get3A_35 = arith.constant 0 : index
    %get3A_36 = vector.load %arg4[%get3A_34, %get3A_35] : memref<1x1xf32, #tpu.memory_space<vmem>>, vector<1x1xf32>
    %add3A_37 = vector.broadcast %get3A_36 : vector<1x1xf32> to vector<10000x1xf32>
    %add3A_38 = arith.addf %dot_general3A_33, %add3A_37 : vector<10000x1xf32>
    %logistic3A = arith.negf %add3A_38 : vector<10000x1xf32>
    %logistic3A_39 = math.exp %logistic3A : vector<10000x1xf32>
    %logistic3A_40 = arith.constant 1.000000e+00 : f32
    %logistic3A_41 = vector.broadcast %logistic3A_40 : f32 to vector<10000x1xf32>
    %logistic3A_42 = arith.addf %logistic3A_41, %logistic3A_39 : vector<10000x1xf32>
    %logistic3A_43 = arith.divf %logistic3A_41, %logistic3A_42 : vector<10000x1xf32>
    %swap3A = arith.constant 0 : index
    %swap3A_44 = arith.constant 0 : index
    %swap3A_45 = vector.load %arg5[%swap3A, %swap3A_44] : memref<10000x1xf32, #tpu.memory_space<vmem>>, vector<10000x1xf32>
    tpu.vector_store %arg5[%swap3A, %swap3A_44], %logistic3A_43 {strides = array<i32>} : memref<10000x1xf32, #tpu.memory_space<vmem>>, vector<10000x1xf32>,
    return
  }
}

</mosaic_0001>

<sc_bundles>
// kernel: kernel.10.cloned.1.call-start
scs
__scs_entry_jumppad:
0x0: {  	(pc) =	sbr.rel $0x88, $3  }
0x1: {  	(tag) =	ssettag $0x0;
	lr =	simm.s32 $0x1  }
0x2: {  	[smem:$0x3F97] =	sst lr;
	_ =	strace $0xD0000000  }
0x3: {  	_ = 	snop  }
0x4: {  	_ = 	snop  }
0x5: {  	_ = 	snop  }
0x6: {  	_ = 	snop  }
0x7: {  	_ = 	snop  }
__scs_overlays_trampoline_lowered:
0x8: {  	[smem:$0x3FA6] =	sst s0  }
0x9: {  	[smem:$0x3FA7] =	sst s1  }
0xa: {  	[smem:$0x3FA8] =	sst s2  }
0xb: {  	[smem:$0x3FA9] =	sst s3  }
0xc: {  	[smem:$0x3FAA] =	sst s4  }
0xd: {  	[smem:$0x3FAB] =	sst s5  }
0xe: {  	[smem:$0x3FAC] =	sst s6  }
0xf: {  	[smem:$0x3FAD] =	sst s7  }
0x10: {  	[smem:$0x3FAE] =	sst s8  }
0x11: {  	[smem:$0x3FAF] =	sst s9;
	s0 =	simm.s32 @!p0 $0x0  }
0x12: {  	s1 =	sld [smem:$0x3F95];
	s0 =	simm.s32 @p0 $0x1  }
0x13: {  	[smem:$0x3FB0] =	sst s0;
	s0 =	simm.s32 @!p1 $0x0  }
0x14: {  	s2 =	sld [smem:$0x3F94];
	s0 =	simm.s32 @p1 $0x1  }
0x15: {  	[smem:$0x3FB1] =	sst s0;
	s0 =	simm.s32 @!p2 $0x0  }
0x16: {  	s3 =	sld [smem:$0x3FDB];
	s0 =	simm.s32 @p2 $0x1  }
0x17: {  	s4 =	simm.s32 $0x1BF5;
	[smem:$0x3FB3] =	sst s0  }
0x18: {  	s0 =	sld [smem:$0x3F96];
	_ =	swait.ge [sflag:s4], $0x0  }
0x19: {  	s7 =	sld [smem:$0x3F97]  }
0x1a: {  	s8 =	sadd.s32 $0xFFFFE003, lr  }
0x1b: {  	s9 =	sadd.s32 $0xFFFFFEF7, lr;
	s5 =	simm.s32 $0xFFFFFFFF;
	p2 =	slt.u32 s8, $0xFFFFF086  }
0x1c: {  	p1 =	slt.u32 s9, $0xF7A;
	s5 =	simm.s32 @!p2 $0x0  }
0x1d: {  	s5 =	simm.s32 @p1 $0x1;
	p0 =	seq.s32 s7, s2  }
0x1e: {  	s7 =	smul.u32 @!p0 $0xF7A, s2;
	p2 =	seq.s32 @!p0 s5, $0x0  }
0x1f: {  	s9 =	smul.u32 $0xF7A, s1;
	s8 =	simm.s32 @!p0 $0x1BF5;
	p2 =	por !p2, p0  }
0x20: {  	[sflag:s8] =	ssyncset.s32 @!p0 $0xFFFFF086;
	s6 =	sadd.s32 @!p0 s3, s7;
	s7 =	simm.s32 @!p0 $0x108  }
0x21: {  	s3 =	sadd.s32 s3, s9;
	s6 =	sadd.s32 @!p0 $0x88, s6;
	s7 =	simm.s32 @p2 $0x1082  }
0x22: {  	[simem:s7], [sflag:s8] =	dma.local @!p0 [hbm:s6], $0xF7A  }
0x23: {  	s9 =	sor.u32 $0xD0000000, s2;
	s6 =	simm.s32 $0x108;
	_ =	swait.ge @!p0 [sflag:s8], $0x0  }
0x24: {  	s3 =	sadd.s32 $0x88, s3;
	s6 =	simm.s32 @!p1 $0x1082;
	[sflag:s4] =	ssyncset.s32 $0xFFFFF086  }
0x25: {  	[simem:s6], [sflag:s4] =	dma.local [hbm:s3], $0xF7A  }
0x26: {  	[smem:$0x3F97] =	sst s1;
	(tag) =	ssettag s2;
	_ =	strace s9  }
0x27: {  	s1 =	sld [smem:$0x3FA7]  }
0x28: {  	s2 =	sld [smem:$0x3FA8]  }
0x29: {  	s4 =	sld [smem:$0x3FAA]  }
0x2a: {  	p0 =	seq.s32 s5, $0x0;
	s5 =	sld [smem:$0x3FAB]  }
0x2b: {  	s6 =	sld [smem:$0x3FAC]  }
0x2c: {  	s7 =	sld [smem:$0x3FAD]  }
0x2d: {  	s3 =	simm.s32 $0x108;
	s8 =	sld [smem:$0x3FAE]  }
0x2e: {  	s3 =	simm.s32 @!p0 $0x1082;
	s9 =	sld [smem:$0x3FAF]  }
0x2f: {  	lr =	sadd.s32 s0, s3;
	s0 =	sld [smem:$0x3FA6]  }
0x30: {  	s3 =	sld [smem:$0x3FA9]  }
0x31: {  	[smem:$0x3FB2] =	sst s10  }
0x32: {  	s10 =	sld [smem:$0x3FB0];
	_ =	sdelay $0x3  }
0x33: {  	p0 =	seq.s32 s10, $0x1;
	s10 =	sld [smem:$0x3FB2];
	_ =	sdelay $0x3  }
0x34: {  	[smem:$0x3FB2] =	sst s10  }
0x35: {  	s10 =	sld [smem:$0x3FB1];
	_ =	sdelay $0x3  }
0x36: {  	p1 =	seq.s32 s10, $0x1;
	s10 =	sld [smem:$0x3FB2];
	_ =	sdelay $0x3  }
0x37: {  	[smem:$0x3FB2] =	sst s10  }
0x38: {  	s10 =	sld [smem:$0x3FB3]  }
0x39: {  	_ = 	snop;
	(pc) =	sbr.ind lr, $3  }
0x3a: {  	_ = 	snop  }
0x3b: {  	_ = 	snop  }
0x3c: {  	p2 =	seq.s32 s10, $0x1;
	s10 =	sld [smem:$0x3FB2]  }
0x3d: {  	_ =	shalt  }
0x3e: {  	_ =	shalt  }
0x3f: {  	_ =	shalt  }
0x40: {  	_ =	shalt  }
0x41: {  	_ =	shalt  }
0x42: {  	_ =	shalt  }
0x43: {  	_ =	shalt  }
0x44: {  	_ =	shalt  }
0x45: {  	_ =	shalt  }
0x46: {  	_ =	shalt  }
0x47: {  	_ =	shalt  }
0x48: {  	_ =	shalt  }
0x49: {  	_ =	shalt  }
0x4a: {  	_ =	shalt  }
0x4b: {  	_ =	shalt  }
0x4c: {  	_ =	shalt  }
0x4d: {  	_ =	shalt  }
0x4e: {  	_ =	shalt  }
0x4f: {  	_ =	shalt  }
0x50: {  	_ =	shalt  }
0x51: {  	_ =	shalt  }
0x52: {  	_ =	shalt  }
0x53: {  	_ =	shalt  }
0x54: {  	_ =	shalt  }
0x55: {  	_ =	shalt  }
0x56: {  	_ =	shalt  }
0x57: {  	_ =	shalt  }
0x58: {  	_ =	shalt  }
0x59: {  	_ =	shalt  }
0x5a: {  	_ =	shalt  }
0x5b: {  	_ =	shalt  }
0x5c: {  	_ =	shalt  }
0x5d: {  	_ =	shalt  }
0x5e: {  	_ =	shalt  }
0x5f: {  	_ =	shalt  }
0x60: {  	_ =	shalt  }
0x61: {  	_ =	shalt  }
0x62: {  	_ =	shalt  }
0x63: {  	_ =	shalt  }
0x64: {  	_ =	shalt  }
0x65: {  	_ =	shalt  }
0x66: {  	_ =	shalt  }
0x67: {  	_ =	shalt  }
0x68: {  	_ =	shalt  }
0x69: {  	_ =	shalt  }
0x6a: {  	_ =	shalt  }
0x6b: {  	_ =	shalt  }
0x6c: {  	_ =	shalt  }
0x6d: {  	_ =	shalt  }
0x6e: {  	_ =	shalt  }
0x6f: {  	_ =	shalt  }
0x70: {  	_ =	shalt  }
0x71: {  	_ =	shalt  }
0x72: {  	_ =	shalt  }
0x73: {  	_ =	shalt  }
0x74: {  	_ =	shalt  }
0x75: {  	_ =	shalt  }
0x76: {  	_ =	shalt  }
0x77: {  	_ =	shalt  }
0x78: {  	_ =	shalt  }
0x79: {  	_ =	shalt  }
0x7a: {  	_ =	shalt  }
0x7b: {  	_ =	shalt  }
0x7c: {  	_ =	shalt  }
0x7d: {  	_ =	shalt  }
0x7e: {  	_ =	shalt  }
0x7f: {  	_ =	shalt  }
0x80: {  	_ =	shalt  }
0x81: {  	_ =	shalt  }
0x82: {  	_ =	shalt  }
0x83: {  	_ =	shalt  }
0x84: {  	_ =	shalt  }
0x85: {  	_ =	shalt  }
0x86: {  	_ =	shalt  }
0x87: {  	_ =	shalt  }
.Lfunc_end0:
.L_simem_size_0:
called_computation.1_lowered:
.L_overlay_start_0:
0x88: {  	s2 =	sld [smem:$0x3FD9]  }
0x89: {  	s3 =	sld [smem:$0x3FFE];
	_ =	sdelay $0x1  }
0x8a: {  	s1 =	srdreg.scid  }
0x8b: {  	s0 =	sand.u32 $0x1, s1  }
0x8c: {  	s16 =	sshll.u32 s0, $0xA;
	s2 =	sadd.s32 s3, s2  }
0x8d: {  	s2 =	sadd.s32 s2, s16  }
0x8e: {  	[smem:$0x3FBE] =	sst s2  }
0x8f: {  	_ = 	snop  }
0x90: {  	(tm) =	ssettm $0x1  }
0x91: {  	s17 =	sld [smem:$0x3FFB];
	_ =	sdelay $0x3  }
0x92: {  	_ =	strace s17  }
0x93: {  	s2 =	sld [smem:$0x3FFC];
	_ =	sdelay $0x3  }
0x94: {  	_ =	strace s2  }
0x95: {  	s2 =	sld [smem:$0x3FFD];
	_ =	sdelay $0x3  }
0x96: {  	_ =	strace s2  }
0x97: {  	_ =	strace $0x8FFFFFFF  }
0x98: {  	s18 =	sld [smem:$0x3FDB];
	_ =	sdelay $0x1  }
0x99: {  	s19 =	simm.s32 $_scs_section_size  }
0x9a: {  	s4 =	simm.s32 $_size__tile_overlayer_lowered;
	s5 =	simm.s32 $_tile_overlayer_lowered  }
0x9b: {  	s22 =	simm.s32 $0x1BFF;
	s21 =	sshll.u32 s5, $0x1;
	s2 =	sadd.s32 s19, s18  }
0x9c: {  	s6 =	simm.s32 $0x0;
	s20 =	sshll.u32 s4, $0x1;
	s4 =	sadd.s32 s21, s2  }
0x9d: {  	[timem:s6], [sflag:s22] =	dma.local [hbm:s4], s20  }
0x9e: {  	_ =	swait.ge [sflag:s22], s20  }
0x9f: {  	s3 =	ssub.s32 $0x0, s20;
	[sflag:s22] =	ssyncset.done $0x0  }
0xa0: {  	[sflag:s22] =	ssyncadd.s32 s3;
	_ =	sdelay $0x1  }
0xa1: {  	s23 =	simm.s32 $0x1B8B  }
0xa2: {  	_ =	swait.ge [sflag:s23], $0x1  }
0xa3: {  	[sflag:s23] =	ssyncset.done $0x0  }
0xa4: {  	s25 =	simm.s32 $0x1B8E;
	s24 =	sld [smem:$0x3FFE];
	[sflag:s23] =	ssyncadd.s32 $0xFFFFFFFF  }
0xa5: {  	s26 =	simm.s32 $execute0_lowered;
	[smem:$0x3FD2] =	sst s25  }
0xa6: {  	s4 =	sshll.u32 s26, $0x1;
	_ =	strace $0x80000049;
	[dreg:$0x1] =	wrdreg $0xFFFFFFFF  }
0xa7: {  	s28 =	simm.s32 $_size_execute0_lowered;
	s2 =	sadd.s32 s2, s4;
	[dreg:$0x0] =	wrdreg $0x0  }
0xa8: {  	s4 =	sshll.u32 s28, $0x1;
	[dreg:$0x2] =	wrdreg s2  }
0xa9: {  	[dreg:$0x3] =	wrdreg s4  }
0xaa: {  	[dreg:$0x4] =	wrdreg $0xC0  }
0xab: {  	_ =	task [dreg:s6], $0x5FFFF  }
0xac: {  	[dreg:$0x1] =	wrdreg $0xFFFFFFFF  }
0xad: {  	[dreg:$0x0] =	wrdreg $0x60  }
0xae: {  	[dreg:$0x2] =	wrdreg s24  }
0xaf: {  	[dreg:$0x3] =	wrdreg $0xA7300  }
0xb0: {  	[dreg:$0x4] =	wrdreg $0x80200  }
0xb1: {  	[dreg:$0x5] =	wrdreg $0x9  }
0xb2: {  	_ =	task.clear_ibuf [dreg:s6], $0x6FFFF;
	_ =	strace $0x90000049  }
0xb3: {  	s29 =	simm.s32 $0x9;
	_ =	strace $0x8000004B  }
0xb4: {  	_ =	swait.ge [sflag:s29], $0x1  }
0xb5: {  	[sflag:s29] =	ssyncadd.s32 $0xFFFFFFFF  }
0xb6: {  	_ =	strace $0x9000004B  }
0xb7: {  	_ =	sfence  }
0xb8: {  	s30 =	sld [smem:$0x0];
	_ =	sdelay $0x2  }
0xb9: {  	s31 =	sshll.u32 s1, $0xD;
	s1 =	sshrl.u32 s1, $0x2  }
0xba: {  	s3 =	sand.u32 $0x4000, s31;
	s1 =	sadd.s32 s1, s30  }
0xbb: {  	s0 =	sor.u32 s3, s0;
	s1 =	sshll.u32 s1, $0x11  }
0xbc: {  	s0 =	sor.u32 s1, s0  }
0xbd: {  	s0 =	sadd.s32 $0x8F2B, s0  }
0xbe: {  	[sflag:s0] =	ssyncadd.remote.s32 $0x1  }
0xbf: {  	_ =	sfence.sel $0xFFFF  }
0xc0: {  	[dreg:$0x0] =	wrdreg $0xFFFFFFFF;
	(pc) =	sbr.abs _section_cstart, $3  }
0xc1: {  	[dreg:$0x1] =	wrdreg $0xFFFFFFFF  }
0xc2: {  	_ =	task.clear_ibuf [dreg:s6], $0x2FFFF;
	_ =	strace $0x9FFFFFFF  }
0xc3: {  	(tm) =	ssettm $0x7FFFFFFF  }
tec
execute0_lowered:
.L_overlay_start_1:
0x0: {  	(tag) =	ssettag $0x1  }
0x1: {  	s6 =	rddreg [dreg:$0x0]  }
0x2: {  	s2 =	rddreg [dreg:$0x1]  }
0x3: {  	s0 =	stileid.u32;
	s1 =	srdreg.scid  }
0x4: {  	s3 =	rddreg [dreg:$0x2];
	s4 =	simm.s32 $0x0;
	s17 =	simm.s32 $0x4E20  }
0x5: {  	s18 =	simm.s32 $0x6720;
	s19 =	simm.s32 $0x1;
	s20 =	simm.s32 $0x2  }
0x6: {  	s21 =	simm.s32 $0x4C90;
	s22 =	simm.s32 $0x0;
	s9 =	smul.u32 $0x2710, s0  }
0x7: {  	s5 =	sand.u32 $0x1, s1;
	s1 =	rddreg [dreg:$0x3];
	s8 =	smul.u32 $0x2780, s0  }
0x8: {  	[smem:$0x7FF] =	sst s4;
	s31 =	sshll.u32 s0, $0x6;
	s7 =	sshll.u32 s5, $0x4  }
0x9: {  	s10 =	smul.u32 $0x27800, s5;
	_ =	strace $0x8000004A;
	s29 =	ssub.s32 $0x2, s5  }
0xa: {  	s5 =	sadd.s32 $0x1A600, s6;
	s7 =	sor.u32 s0, s7;
	s11 =	sshrl.u32 s9, $0x3  }
0xb: {  	s30 =	sshrl.u32 s29, $0x1;
	s15 =	sadd.s32 s8, s2;
	s16 =	sadd.s32 s9, s3  }
0xc: {  	s7 =	smul.u32 $0x4E2, s7;
	s11 =	sadd.s32 s11, s6;
	s10 =	sadd.s32 s8, s10  }
0xd: {  	s14 =	ssub.s32 s29, s30;
	s28 =	sshrl.u32 s10, $0x3;
	s9 =	sadd.s32 $0x15600, s11  }
0xe: {  	s11 =	smax.u32 s14, $0x1;
	s14 =	simm.s32 $0x2710;
	s12 =	sadd.s32 s7, s6  }
0xf: {  	s13 =	sadd.s32 s28, s6;
	s6 =	sor.u32 $0x1C03, s31;
	s7 =	sadd.s32 $0xB800, s12  }
0x10: {  	s8 =	sadd.s32 $0x1A00, s12;
	s10 =	sadd.s32 $0x1AC00, s13;
	s12 =	sshrl.u32 s15, $0x3  }
0x11: {  	s13 =	simm.s32 $0x3;
	s15 =	sshrl.u32 s16, $0x3;
	s16 =	simm.s32 $0x190  }
.LBB2_1:
0x12: {  	[spmem:s12], [sflag:s6] =	dma.local [hbm:s5], $0x4F0  }
0x13: {  	_ =	swait.ge [sflag:s13], $0x4F0  }
0x14: {  	[sflag:s13] =	ssyncset.done $0x0  }
0x15: {  	[sflag:s13] =	ssyncadd.s32 $0xFFFFFB10  }
0x16: {  	[tilespmem:s4], [sflag:$0x3] =	stream.linear.gather [hbm4b:s7+s4], $0x2710, $0x38;
	[tilespmem:$0xCEB0] =	vst v63  }
0x17: {  	_ =	swait.ge [sflag:s13], $0x2710  }
0x18: {  	[sflag:s13] =	ssyncset.done $0x0  }
0x19: {  	[sflag:s13] =	ssyncadd.s32 $0xFFFFD8F0  }
0x1a: {  	[tilespmem:s14], [sflag:$0x3] =	stream.linear.gather [hbm4b:s8+s4], $0x2710, $0x38;
	[tilespmem:$0xCEB0] =	vst v63  }
0x1b: {  	_ =	swait.ge [sflag:s13], $0x2710  }
0x1c: {  	[sflag:s13] =	ssyncset.done $0x0  }
0x1d: {  	[sflag:s13] =	ssyncadd.s32 $0xFFFFD8F0  }
0x1e: {  	[spmem:s15], [sflag:s6] =	dma.local [hbm:s9], $0x4E2  }
0x1f: {  	_ =	swait.ge [sflag:s13], $0x4E2  }
0x20: {  	[sflag:s13] =	ssyncset.done $0x0  }
0x21: {  	[sflag:s13] =	ssyncadd.s32 $0xFFFFFB1E  }
0x22: {  	[bflag:$0x0] =	sbarrier.arrive $0xFFFF  }
0x23: {  	[tilespmem:s17], [sflag:$0x1] =	stream.indirect.gather [spmem:s3], $0x10, s4, s16, $0xb8;
	[tilespmem:$0xCEB0] =	vst v63  }
0x24: {  	s23 =	simm.s32 $0x190  }
0x25: {  	[tilespmem:s18], [sflag:$0x2] =	stream.indirect.gather [spmem:s3], $0x10, s23, s16, $0xb8;
	[tilespmem:$0xCEB0] =	vst v63  }
0x26: {  	_ =	swait.ge [sflag:s19], $0x1900  }
0x27: {  	[sflag:s19] =	ssyncset.done $0x0  }
0x28: {  	s29 =	simm.s32 $0x2710;
	[sflag:s19] =	ssyncadd.s32 $0xFFFFE700  }
0x29: {  	[spmem:s2] =	stream.indirect.scatter.add.f32 [tilespmem:s17], [sflag:$0x3], $0x10, s29, s16, $0xb8;
	[tilespmem:$0xCEB0] =	vst v63  }
0x2a: {  	_ =	swait.ge [sflag:s13], $0x1900  }
0x2b: {  	[sflag:s13] =	ssyncset.done $0x0  }
0x2c: {  	s30 =	simm.s32 $0x320;
	[sflag:s13] =	ssyncadd.s32 $0xFFFFE700  }
0x2d: {  	[tilespmem:s17], [sflag:$0x1] =	stream.indirect.gather [spmem:s3], $0x10, s30, s16, $0xb8;
	[tilespmem:$0xCEB0] =	vst v63  }
0x2e: {  	_ =	swait.ge [sflag:s20], $0x1900  }
0x2f: {  	[sflag:s20] =	ssyncset.done $0x0  }
0x30: {  	s31 =	simm.s32 $0x28A0;
	[sflag:s20] =	ssyncadd.s32 $0xFFFFE700  }
0x31: {  	[spmem:s2] =	stream.indirect.scatter.add.f32 [tilespmem:s18], [sflag:$0x3], $0x10, s31, s16, $0xb8;
	[tilespmem:$0xCEB0] =	vst v63  }
0x32: {  	_ =	swait.ge [sflag:s13], $0x1900  }
0x33: {  	s24 =	simm.s32 $0x1900;
	s23 =	simm.s32 $0x320;
	[sflag:s13] =	ssyncset.done $0x0  }
.LBB2_2:
0x34: {  	s25 =	sadd.s32 $0x190, s23  }
0x35: {  	[sflag:s13] =	ssyncadd.s32 $0xFFFFE700;
	s26 =	smov.u32 s24;
	s28 =	sadd.s32 $0xC80, s24  }
0x36: {  	[tilespmem:s18], [sflag:$0x2] =	stream.indirect.gather [spmem:s3], $0x10, s25, s16, $0xb8;
	[tilespmem:$0xCEB0] =	vst v63  }
0x37: {  	p0 =	sne.s32 s24, $0x8980;
	_ =	swait.ge [sflag:s19], $0x1900  }
0x38: {  	[sflag:s19] =	ssyncset.done $0x0  }
0x39: {  	s24 =	sadd.s32 $0x2710, s23;
	[sflag:s19] =	ssyncadd.s32 $0xFFFFE700  }
0x3a: {  	[spmem:s2] =	stream.indirect.scatter.add.f32 [tilespmem:s17], [sflag:$0x3], $0x10, s24, s16, $0xb8;
	[tilespmem:$0xCEB0] =	vst v63  }
0x3b: {  	_ =	swait.ge [sflag:s13], $0x1900  }
0x3c: {  	[sflag:s13] =	ssyncset.done $0x0  }
0x3d: {  	s24 =	sadd.s32 $0x320, s23;
	[sflag:s13] =	ssyncadd.s32 $0xFFFFE700  }
0x3e: {  	[tilespmem:s17], [sflag:$0x1] =	stream.indirect.gather [spmem:s3], $0x10, s24, s16, $0xb8;
	[tilespmem:$0xCEB0] =	vst v63  }
0x3f: {  	_ =	swait.ge [sflag:s20], $0x1900  }
.Ltmp0:
0x40: {  	[sflag:s20] =	ssyncset.done $0x0;
	(pc) =	sbr.rel @p0 .LBB2_2-.Ltmp0, $4  }
0x41: {  	s23 =	sadd.s32 $0x28A0, s23;
	[sflag:s20] =	ssyncadd.s32 $0xFFFFE700  }
0x42: {  	[spmem:s2] =	stream.indirect.scatter.add.f32 [tilespmem:s18], [sflag:$0x3], $0x10, s23, s16, $0xb8;
	[tilespmem:$0xCEB0] =	vst v63  }
0x43: {  	_ =	swait.ge [sflag:s13], $0x1900  }
0x44: {  	s24 =	smov.u32 s28;
	s23 =	sshra.s32 s26, $0x2;
	[sflag:s13] =	ssyncset.done $0x0  }
0x45: {  	s24 =	sadd.s32 $0x190, s23;
	[sflag:s13] =	ssyncadd.s32 $0xFFFFE700  }
0x46: {  	[tilespmem:s18], [sflag:$0x2] =	stream.indirect.gather [spmem:s3], $0x10, s24, s16, $0xb8;
	[tilespmem:$0xCEB0] =	vst v63  }
0x47: {  	_ =	swait.ge [sflag:s19], $0x1900  }
0x48: {  	[sflag:s19] =	ssyncset.done $0x0  }
0x49: {  	s29 =	sadd.s32 $0x2710, s23;
	[sflag:s19] =	ssyncadd.s32 $0xFFFFE700  }
0x4a: {  	[spmem:s2] =	stream.indirect.scatter.add.f32 [tilespmem:s17], [sflag:$0x3], $0x10, s29, s16, $0xb8;
	[tilespmem:$0xCEB0] =	vst v63  }
0x4b: {  	_ =	swait.ge [sflag:s13], $0x1900  }
0x4c: {  	[sflag:s13] =	ssyncset.done $0x0  }
0x4d: {  	s30 =	sadd.s32 $0x320, s23;
	[sflag:s13] =	ssyncadd.s32 $0xFFFFE700  }
0x4e: {  	[tilespmem:s17], [sflag:$0x1] =	stream.indirect.gather [spmem:s3], $0x10, s30, s16, $0xb8;
	[tilespmem:$0xCEB0] =	vst v63  }
0x4f: {  	_ =	swait.ge [sflag:s20], $0x1900  }
0x50: {  	[sflag:s20] =	ssyncset.done $0x0  }
0x51: {  	s31 =	sadd.s32 $0x28A0, s23;
	[sflag:s20] =	ssyncadd.s32 $0xFFFFE700  }
0x52: {  	[spmem:s2] =	stream.indirect.scatter.add.f32 [tilespmem:s18], [sflag:$0x3], $0x10, s31, s16, $0xb8;
	[tilespmem:$0xCEB0] =	vst v63  }
0x53: {  	_ =	swait.ge [sflag:s13], $0x1900  }
0x54: {  	[sflag:s13] =	ssyncset.done $0x0  }
0x55: {  	[sflag:s13] =	ssyncadd.s32 $0xFFFFE700  }
0x56: {  	_ =	swait.ge [sflag:s19], $0x1900  }
0x57: {  	[sflag:s19] =	ssyncset.done $0x0  }
0x58: {  	[sflag:s19] =	ssyncadd.s32 $0xFFFFE700  }
0x59: {  	[spmem:s2] =	stream.indirect.scatter.add.f32 [tilespmem:s17], [sflag:$0x3], $0x10, s21, s16, $0xb8;
	[tilespmem:$0xCEB0] =	vst v63  }
0x5a: {  	_ =	swait.ge [sflag:s13], $0x1900  }
0x5b: {  	s22 =	sadd.s32 $0x1, s22;
	[sflag:s13] =	ssyncset.done $0x0  }
0x5c: {  	p0 =	sne.s32 s22, s11;
	[sflag:s13] =	ssyncadd.s32 $0xFFFFE700  }
.Ltmp1:
0x5d: {  	[bflag:$0x0] =	sbarrier.arrive $0xFFFF;
	(pc) =	sbr.rel @p0 .LBB2_1-.Ltmp1, $4  }
0x5e: {  	[hbm:s10], [sflag:s6] =	dma.local [spmem:s12], $0x4F0  }
0x5f: {  	_ =	swait.ge [sflag:s13], $0x4F0  }
0x60: {  	[sflag:s13] =	ssyncset.done $0x0  }
0x61: {  	[sflag:s13] =	ssyncadd.s32 $0xFFFFFB10  }
0x62: {  	_ =	sfence.sel $0x180000  }
0x63: {  	[bflag:$0x0] =	sbarrier.arrive $0xFFFF  }
0x64: {  	p0 =	sne.s32 s0, $0x0;
	_ =	strace $0x9000004A  }
0x65: {  	s0 =	sadd.s32 @!p0 $0x100000, s1;
	[bflag:$0x2] =	sbarrier.arrive $0xFFFF  }
0x66: {  	[sflag:s0] =	ssyncadd.tile.s32 @!p0 $0x1;
	_ =	shalt  }
.Lfunc_end2:
_tile_overlayer_lowered:
.L_overlay_start_2:
0x67: {  	(tag) =	ssettag $0x2  }
0x68: {  	s0 =	rddreg [dreg:$0x0];
	s2 =	stileid.u32  }
0x69: {  	s1 =	rddreg [dreg:$0x1];
	p0 =	sne.s32 s2, $0x0  }
0x6a: {  	s3 =	rddreg [dreg:$0x2];
	[bflag:$0x3] =	sbarrier.arrive $0xFFFF;
	s2 =	simm.s32 @!p0 $0x1C03  }
0x6b: {  	[timem:s3], [sflag:s2] =	dma.local @!p0 [hbm:s0], s1  }
0x6c: {  	s0 =	simm.s32 @!p0 $0x3  }
0x6d: {  	_ =	swait.ge @!p0 [sflag:s0], s1  }
0x6e: {  	s1 =	ssub.s32 @!p0 $0x0, s1;
	[sflag:s0] =	ssyncset.done @!p0 $0x0  }
0x6f: {  	[sflag:s0] =	ssyncadd.s32 @!p0 s1  }
0x70: {  	[bflag:$0x3] =	sbarrier.arrive $0xFFFF  }
0x71: {  	_ =	shalt  }

// kernel: kernel.7.cloned.1.call-start
scs
__scs_entry_jumppad:
0x0: {  	(pc) =	sbr.rel $0x88, $3  }
0x1: {  	(tag) =	ssettag $0x0;
	lr =	simm.s32 $0x1  }
0x2: {  	[smem:$0x3F97] =	sst lr;
	_ =	strace $0xD0000000  }
0x3: {  	_ = 	snop  }
0x4: {  	_ = 	snop  }
0x5: {  	_ = 	snop  }
0x6: {  	_ = 	snop  }
0x7: {  	_ = 	snop  }
__scs_overlays_trampoline_lowered:
0x8: {  	[smem:$0x3FA6] =	sst s0  }
0x9: {  	[smem:$0x3FA7] =	sst s1  }
0xa: {  	[smem:$0x3FA8] =	sst s2  }
0xb: {  	[smem:$0x3FA9] =	sst s3  }
0xc: {  	[smem:$0x3FAA] =	sst s4  }
0xd: {  	[smem:$0x3FAB] =	sst s5  }
0xe: {  	[smem:$0x3FAC] =	sst s6  }
0xf: {  	[smem:$0x3FAD] =	sst s7  }
0x10: {  	[smem:$0x3FAE] =	sst s8  }
0x11: {  	[smem:$0x3FAF] =	sst s9;
	s0 =	simm.s32 @!p0 $0x0  }
0x12: {  	s1 =	sld [smem:$0x3F95];
	s0 =	simm.s32 @p0 $0x1  }
0x13: {  	[smem:$0x3FB0] =	sst s0;
	s0 =	simm.s32 @!p1 $0x0  }
0x14: {  	s2 =	sld [smem:$0x3F94];
	s0 =	simm.s32 @p1 $0x1  }
0x15: {  	[smem:$0x3FB1] =	sst s0;
	s0 =	simm.s32 @!p2 $0x0  }
0x16: {  	s3 =	sld [smem:$0x3FDB];
	s0 =	simm.s32 @p2 $0x1  }
0x17: {  	s4 =	simm.s32 $0x1BF5;
	[smem:$0x3FB3] =	sst s0  }
0x18: {  	s0 =	sld [smem:$0x3F96];
	_ =	swait.ge [sflag:s4], $0x0  }
0x19: {  	s7 =	sld [smem:$0x3F97]  }
0x1a: {  	s8 =	sadd.s32 $0xFFFFE003, lr  }
0x1b: {  	s9 =	sadd.s32 $0xFFFFFEF7, lr;
	s5 =	simm.s32 $0xFFFFFFFF;
	p2 =	slt.u32 s8, $0xFFFFF086  }
0x1c: {  	p1 =	slt.u32 s9, $0xF7A;
	s5 =	simm.s32 @!p2 $0x0  }
0x1d: {  	s5 =	simm.s32 @p1 $0x1;
	p0 =	seq.s32 s7, s2  }
0x1e: {  	s7 =	smul.u32 @!p0 $0xF7A, s2;
	p2 =	seq.s32 @!p0 s5, $0x0  }
0x1f: {  	s9 =	smul.u32 $0xF7A, s1;
	s8 =	simm.s32 @!p0 $0x1BF5;
	p2 =	por !p2, p0  }
0x20: {  	[sflag:s8] =	ssyncset.s32 @!p0 $0xFFFFF086;
	s6 =	sadd.s32 @!p0 s3, s7;
	s7 =	simm.s32 @!p0 $0x108  }
0x21: {  	s3 =	sadd.s32 s3, s9;
	s6 =	sadd.s32 @!p0 $0x88, s6;
	s7 =	simm.s32 @p2 $0x1082  }
0x22: {  	[simem:s7], [sflag:s8] =	dma.local @!p0 [hbm:s6], $0xF7A  }
0x23: {  	s9 =	sor.u32 $0xD0000000, s2;
	s6 =	simm.s32 $0x108;
	_ =	swait.ge @!p0 [sflag:s8], $0x0  }
0x24: {  	s3 =	sadd.s32 $0x88, s3;
	s6 =	simm.s32 @!p1 $0x1082;
	[sflag:s4] =	ssyncset.s32 $0xFFFFF086  }
0x25: {  	[simem:s6], [sflag:s4] =	dma.local [hbm:s3], $0xF7A  }
0x26: {  	[smem:$0x3F97] =	sst s1;
	(tag) =	ssettag s2;
	_ =	strace s9  }
0x27: {  	s1 =	sld [smem:$0x3FA7]  }
0x28: {  	s2 =	sld [smem:$0x3FA8]  }
0x29: {  	s4 =	sld [smem:$0x3FAA]  }
0x2a: {  	p0 =	seq.s32 s5, $0x0;
	s5 =	sld [smem:$0x3FAB]  }
0x2b: {  	s6 =	sld [smem:$0x3FAC]  }
0x2c: {  	s7 =	sld [smem:$0x3FAD]  }
0x2d: {  	s3 =	simm.s32 $0x108;
	s8 =	sld [smem:$0x3FAE]  }
0x2e: {  	s3 =	simm.s32 @!p0 $0x1082;
	s9 =	sld [smem:$0x3FAF]  }
0x2f: {  	lr =	sadd.s32 s0, s3;
	s0 =	sld [smem:$0x3FA6]  }
0x30: {  	s3 =	sld [smem:$0x3FA9]  }
0x31: {  	[smem:$0x3FB2] =	sst s10  }
0x32: {  	s10 =	sld [smem:$0x3FB0];
	_ =	sdelay $0x3  }
0x33: {  	p0 =	seq.s32 s10, $0x1;
	s10 =	sld [smem:$0x3FB2];
	_ =	sdelay $0x3  }
0x34: {  	[smem:$0x3FB2] =	sst s10  }
0x35: {  	s10 =	sld [smem:$0x3FB1];
	_ =	sdelay $0x3  }
0x36: {  	p1 =	seq.s32 s10, $0x1;
	s10 =	sld [smem:$0x3FB2];
	_ =	sdelay $0x3  }
0x37: {  	[smem:$0x3FB2] =	sst s10  }
0x38: {  	s10 =	sld [smem:$0x3FB3]  }
0x39: {  	_ = 	snop;
	(pc) =	sbr.ind lr, $3  }
0x3a: {  	_ = 	snop  }
0x3b: {  	_ = 	snop  }
0x3c: {  	p2 =	seq.s32 s10, $0x1;
	s10 =	sld [smem:$0x3FB2]  }
0x3d: {  	_ =	shalt  }
0x3e: {  	_ =	shalt  }
0x3f: {  	_ =	shalt  }
0x40: {  	_ =	shalt  }
0x41: {  	_ =	shalt  }
0x42: {  	_ =	shalt  }
0x43: {  	_ =	shalt  }
0x44: {  	_ =	shalt  }
0x45: {  	_ =	shalt  }
0x46: {  	_ =	shalt  }
0x47: {  	_ =	shalt  }
0x48: {  	_ =	shalt  }
0x49: {  	_ =	shalt  }
0x4a: {  	_ =	shalt  }
0x4b: {  	_ =	shalt  }
0x4c: {  	_ =	shalt  }
0x4d: {  	_ =	shalt  }
0x4e: {  	_ =	shalt  }
0x4f: {  	_ =	shalt  }
0x50: {  	_ =	shalt  }
0x51: {  	_ =	shalt  }
0x52: {  	_ =	shalt  }
0x53: {  	_ =	shalt  }
0x54: {  	_ =	shalt  }
0x55: {  	_ =	shalt  }
0x56: {  	_ =	shalt  }
0x57: {  	_ =	shalt  }
0x58: {  	_ =	shalt  }
0x59: {  	_ =	shalt  }
0x5a: {  	_ =	shalt  }
0x5b: {  	_ =	shalt  }
0x5c: {  	_ =	shalt  }
0x5d: {  	_ =	shalt  }
0x5e: {  	_ =	shalt  }
0x5f: {  	_ =	shalt  }
0x60: {  	_ =	shalt  }
0x61: {  	_ =	shalt  }
0x62: {  	_ =	shalt  }
0x63: {  	_ =	shalt  }
0x64: {  	_ =	shalt  }
0x65: {  	_ =	shalt  }
0x66: {  	_ =	shalt  }
0x67: {  	_ =	shalt  }
0x68: {  	_ =	shalt  }
0x69: {  	_ =	shalt  }
0x6a: {  	_ =	shalt  }
0x6b: {  	_ =	shalt  }
0x6c: {  	_ =	shalt  }
0x6d: {  	_ =	shalt  }
0x6e: {  	_ =	shalt  }
0x6f: {  	_ =	shalt  }
0x70: {  	_ =	shalt  }
0x71: {  	_ =	shalt  }
0x72: {  	_ =	shalt  }
0x73: {  	_ =	shalt  }
0x74: {  	_ =	shalt  }
0x75: {  	_ =	shalt  }
0x76: {  	_ =	shalt  }
0x77: {  	_ =	shalt  }
0x78: {  	_ =	shalt  }
0x79: {  	_ =	shalt  }
0x7a: {  	_ =	shalt  }
0x7b: {  	_ =	shalt  }
0x7c: {  	_ =	shalt  }
0x7d: {  	_ =	shalt  }
0x7e: {  	_ =	shalt  }
0x7f: {  	_ =	shalt  }
0x80: {  	_ =	shalt  }
0x81: {  	_ =	shalt  }
0x82: {  	_ =	shalt  }
0x83: {  	_ =	shalt  }
0x84: {  	_ =	shalt  }
0x85: {  	_ =	shalt  }
0x86: {  	_ =	shalt  }
0x87: {  	_ =	shalt  }
.Lfunc_end0:
.L_simem_size_0:
called_computation_lowered:
.L_overlay_start_0:
0x88: {  	s2 =	sld [smem:$0x3FD9]  }
0x89: {  	s3 =	sld [smem:$0x3FFE];
	_ =	sdelay $0x1  }
0x8a: {  	s1 =	srdreg.scid  }
0x8b: {  	s0 =	sand.u32 $0x1, s1  }
0x8c: {  	s17 =	sshll.u32 s0, $0xA;
	s2 =	sadd.s32 s3, s2  }
0x8d: {  	s2 =	sadd.s32 s2, s17  }
0x8e: {  	[smem:$0x3FBE] =	sst s2  }
0x8f: {  	_ = 	snop  }
0x90: {  	s2 =	sld [smem:$0x3FD0];
	(tm) =	ssettm $0x1  }
0x91: {  	s18 =	sld [smem:$0x3FFB];
	_ =	sdelay $0x3  }
0x92: {  	_ =	strace s18  }
0x93: {  	s3 =	sld [smem:$0x3FFC];
	_ =	sdelay $0x3  }
0x94: {  	_ =	strace s3  }
0x95: {  	s3 =	sld [smem:$0x3FFD];
	_ =	sdelay $0x3  }
0x96: {  	_ =	strace s3  }
0x97: {  	_ =	strace $0x8FFFFFFF  }
0x98: {  	s19 =	sld [smem:$0x3FDB];
	_ =	sdelay $0x1  }
0x99: {  	s4 =	simm.s32 $_scs_section_size  }
0x9a: {  	s5 =	simm.s32 $_size__tile_overlayer_lowered;
	s6 =	simm.s32 $_tile_overlayer_lowered  }
0x9b: {  	s22 =	simm.s32 $0x1BFF;
	s21 =	sshll.u32 s6, $0x1;
	s3 =	sadd.s32 s4, s19  }
0x9c: {  	s7 =	simm.s32 $0x0;
	s20 =	sshll.u32 s5, $0x1;
	s5 =	sadd.s32 s21, s3  }
0x9d: {  	[timem:s7], [sflag:s22] =	dma.local [hbm:s5], s20  }
0x9e: {  	_ =	swait.ge [sflag:s22], s20  }
0x9f: {  	s4 =	ssub.s32 $0x0, s20;
	[sflag:s22] =	ssyncset.done $0x0  }
0xa0: {  	[sflag:s22] =	ssyncadd.s32 s4;
	_ =	sdelay $0x1  }
0xa1: {  	s23 =	simm.s32 $0x1B8B  }
0xa2: {  	_ =	swait.ge [sflag:s23], $0x1  }
0xa3: {  	[sflag:s23] =	ssyncset.done $0x0  }
0xa4: {  	s25 =	simm.s32 $0x1B8E;
	s24 =	sld [smem:$0x3FFE];
	[sflag:s23] =	ssyncadd.s32 $0xFFFFFFFF  }
0xa5: {  	s26 =	simm.s32 $execute0_lowered;
	[smem:$0x3FD2] =	sst s25  }
0xa6: {  	s5 =	sshll.u32 s26, $0x1;
	_ =	strace $0x80000046;
	[dreg:$0x1] =	wrdreg $0xFFFFFFFF  }
0xa7: {  	s28 =	simm.s32 $_size_execute0_lowered;
	s3 =	sadd.s32 s3, s5;
	[dreg:$0x0] =	wrdreg $0x0  }
0xa8: {  	s5 =	sshll.u32 s28, $0x1;
	[dreg:$0x2] =	wrdreg s3  }
0xa9: {  	[dreg:$0x3] =	wrdreg s5  }
0xaa: {  	[dreg:$0x4] =	wrdreg $0xC0  }
0xab: {  	_ =	task [dreg:s7], $0x5FFFF  }
0xac: {  	[dreg:$0x1] =	wrdreg $0xFFFFFFFF  }
0xad: {  	[dreg:$0x0] =	wrdreg $0x60  }
0xae: {  	[dreg:$0x2] =	wrdreg s24  }
0xaf: {  	[dreg:$0x3] =	wrdreg s2  }
0xb0: {  	[dreg:$0x4] =	wrdreg $0x12AC00  }
0xb1: {  	[dreg:$0x5] =	wrdreg $0xDCA00  }
0xb2: {  	[dreg:$0x6] =	wrdreg $0x179C00  }
0xb3: {  	[dreg:$0x7] =	wrdreg $0x9  }
0xb4: {  	_ =	task.clear_ibuf [dreg:s7], $0x8FFFF;
	_ =	strace $0x90000046  }
0xb5: {  	s29 =	simm.s32 $0x9;
	_ =	strace $0x80000048  }
0xb6: {  	_ =	swait.ge [sflag:s29], $0x1  }
0xb7: {  	[sflag:s29] =	ssyncadd.s32 $0xFFFFFFFF  }
0xb8: {  	_ =	strace $0x90000048  }
0xb9: {  	_ =	sfence  }
0xba: {  	s30 =	sld [smem:$0x0];
	_ =	sdelay $0x2  }
0xbb: {  	s31 =	sshll.u32 s1, $0xD;
	s1 =	sshrl.u32 s1, $0x2  }
0xbc: {  	s3 =	sand.u32 $0x4000, s31;
	s1 =	sadd.s32 s1, s30  }
0xbd: {  	s0 =	sor.u32 s3, s0;
	s1 =	sshll.u32 s1, $0x11  }
0xbe: {  	s0 =	sor.u32 s1, s0  }
0xbf: {  	s0 =	sadd.s32 $0x8F2B, s0  }
0xc0: {  	[sflag:s0] =	ssyncadd.remote.s32 $0x1  }
0xc1: {  	_ =	sfence.sel $0xFFFF  }
0xc2: {  	[dreg:$0x0] =	wrdreg $0xFFFFFFFF;
	(pc) =	sbr.abs _section_cstart, $3  }
0xc3: {  	[dreg:$0x1] =	wrdreg $0xFFFFFFFF  }
0xc4: {  	_ =	task.clear_ibuf [dreg:s7], $0x2FFFF;
	_ =	strace $0x9FFFFFFF  }
0xc5: {  	(tm) =	ssettm $0x7FFFFFFF  }
tec
execute0_lowered:
.L_overlay_start_1:
0x0: {  	(tag) =	ssettag $0x1  }
0x1: {  	s1 =	rddreg [dreg:$0x0]  }
0x2: {  	s3 =	rddreg [dreg:$0x2]  }
0x3: {  	s0 =	srdreg.scid;
	s4 =	rddreg [dreg:$0x3]  }
0x4: {  	s5 =	stileid.u32;
	s18 =	rddreg [dreg:$0x4]  }
0x5: {  	s6 =	simm.s32 $0x0;
	s19 =	simm.s32 $0xDA20;
	s20 =	simm.s32 $0x2710  }
0x6: {  	s23 =	simm.s32 $0x190;
	s28 =	simm.s32 $0x1;
	s12 =	smul.u32 $0x4E20, s5  }
0x7: {  	s29 =	simm.s32 $0x2;
	s30 =	simm.s32 $0x4C90;
	s9 =	smul.u32 $0x4F00, s5  }
0x8: {  	s31 =	simm.s32 $0x280;
	s0 =	sand.u32 $0x1, s0;
	s15 =	smul.u32 $0x500, s5  }
0x9: {  	[smem:$0x7FF] =	sst s6;
	s25 =	sshll.u32 s5, $0x6;
	s16 =	smul.u32 $0x1400, s5  }
0xa: {  	p0 =	sgt.u32 s5, $0x7;
	s2 =	sshll.u32 s0, $0x4;
	s8 =	smul.u32 $0x4F000, s0  }
0xb: {  	s10 =	smul.u32 $0x2800, s0;
	_ =	strace $0x80000047;
	s0 =	ssub.s32 $0x2, s0  }
0xc: {  	s2 =	sor.u32 s5, s2;
	s7 =	sshrl.u32 s12, $0x3;
	s24 =	sshrl.u32 s0, $0x1  }
0xd: {  	s17 =	sadd.s32 s9, s3;
	s26 =	sshrl.u32 s16, $0x2;
	s21 =	sadd.s32 s12, s4  }
0xe: {  	s2 =	smul.u32 $0x4E2, s2;
	s13 =	sadd.s32 s7, s1;
	s7 =	sadd.s32 $0x1F400, s1  }
0xf: {  	s11 =	sadd.s32 s9, s8;
	s10 =	sadd.s32 s15, s10;
	s8 =	sadd.s32 $0x1FE00, s1  }
0x10: {  	s0 =	ssub.s32 s0, s24;
	s9 =	sor.u32 $0x1C03, s25;
	s16 =	sshrl.u32 s17, $0x3  }
0x11: {  	s17 =	simm.s32 $0x3;
	s21 =	sshrl.u32 s21, $0x3;
	s24 =	simm.s32 $0x4E20  }
0x12: {  	s11 =	sshrl.u32 s11, $0x3;
	s10 =	sshrl.u32 s10, $0x3;
	s12 =	sadd.s32 $0x15600, s13  }
0x13: {  	s2 =	sadd.s32 s2, s1;
	s14 =	sadd.s32 s11, s1;
	s1 =	sadd.s32 s10, s1  }
0x14: {  	s10 =	sadd.s32 $0xB800, s2;
	s11 =	sadd.s32 $0x1A00, s2;
	s2 =	sadd.s32 s26, s18  }
0x15: {  	s13 =	sadd.s32 $0x20E00, s14;
	s14 =	sadd.s32 $0x20400, s1;
	s1 =	sadd.s32 s15, s18  }
0x16: {  	s15 =	smax.u32 s0, $0x1;
	s18 =	simm.s32 $0xB220;
	s26 =	simm.s32 $0x8020  }
0x17: {  	v0 =	vimm.f32 $1.000000000e+00;
	s22 =	sshrl.u32 @!p0 s2, $0x3;
	s25 =	sshrl.u32 @!p0 s1, $0x3;
	s2 =	simm.s32 $0x0  }
.LBB2_1:
0x18: {  	[spmem:s16], [sflag:s9] =	dma.local [hbm:s7], $0x9E0  }
0x19: {  	_ =	swait.ge [sflag:s17], $0x9E0  }
0x1a: {  	[sflag:s17] =	ssyncset.done $0x0  }
0x1b: {  	[sflag:s17] =	ssyncadd.s32 $0xFFFFF620  }
0x1c: {  	[tilespmem:s18], [sflag:$0x3] =	stream.linear.gather [hbm4b:s8+s6], $0x2800, $0x38;
	[tilespmem:$0x17C40] =	vst v63  }
0x1d: {  	_ =	swait.ge [sflag:s17], $0x2800  }
0x1e: {  	[sflag:s17] =	ssyncset.done $0x0  }
0x1f: {  	[sflag:s17] =	ssyncadd.s32 $0xFFFFD800  }
0x20: {  	s0 =	rddreg [dreg:$0x1]  }
0x21: {  	[tilespmem:s19], [sflag:$0x3] =	stream.linear.gather [hbm4b:s0+s6], $0x280, $0x38;
	[tilespmem:$0x17C40] =	vst v63  }
0x22: {  	_ =	swait.ge [sflag:s17], $0x280  }
0x23: {  	[sflag:s17] =	ssyncset.done $0x0  }
0x24: {  	[sflag:s17] =	ssyncadd.s32 $0xFFFFFD80  }
0x25: {  	[tilespmem:s6], [sflag:$0x3] =	stream.linear.gather [hbm4b:s10+s6], $0x2710, $0x38;
	[tilespmem:$0x17C40] =	vst v63  }
0x26: {  	_ =	swait.ge [sflag:s17], $0x2710  }
0x27: {  	[sflag:s17] =	ssyncset.done $0x0  }
0x28: {  	[sflag:s17] =	ssyncadd.s32 $0xFFFFD8F0  }
0x29: {  	[tilespmem:s20], [sflag:$0x3] =	stream.linear.gather [hbm4b:s11+s6], $0x2710, $0x38;
	[tilespmem:$0x17C40] =	vst v63  }
0x2a: {  	_ =	swait.ge [sflag:s17], $0x2710  }
0x2b: {  	[sflag:s17] =	ssyncset.done $0x0  }
0x2c: {  	[sflag:s17] =	ssyncadd.s32 $0xFFFFD8F0  }
0x2d: {  	[spmem:s21], [sflag:s9] =	dma.local [hbm:s12], $0x9C4  }
0x2e: {  	_ =	swait.ge [sflag:s17], $0x9C4  }
0x2f: {  	[sflag:s17] =	ssyncset.done $0x0  }
0x30: {  	s0 =	simm.s32 @!p0 $0x3;
	[sflag:s17] =	ssyncadd.s32 $0xFFFFF63C  }
0x31: {  	[spmem:s22], [sflag:s9] =	dma.local @!p0 [hbm:s8], $0xA0  }
0x32: {  	_ =	swait.ge @!p0 [sflag:s0], $0xA0  }
0x33: {  	[sflag:s0] =	ssyncset.done @!p0 $0x0  }
0x34: {  	[sflag:s0] =	ssyncadd.s32 @!p0 $0xFFFFFF60  }
0x35: {  	s0 =	simm.s32 $0x0;
	[bflag:$0x0] =	sbarrier.arrive $0xFFFF  }
0x36: {  	[tilespmem:s24], [sflag:$0x1] =	stream.indirect.gather [spmem:s4], $0x20, s6, s23, $0xb8;
	[tilespmem:$0x17C40] =	vst v63  }
.LBB2_2:
0x37: {  	s1 =	sshra.s32 s0, $0x2  }
0x38: {  	s5 =	sadd.s32 $0x190, s1  }
0x39: {  	[tilespmem:s26], [sflag:$0x2] =	stream.indirect.gather [spmem:s4], $0x20, s5, s23, $0xb8;
	[tilespmem:$0x17C40] =	vst v63  }
0x3a: {  	v1 =	vld [tilespmem:s1+$0x2710];
	_ =	sdelay $0x7  }
0x3b: {  	[tilespmem:v1+s18+$0x0] =	vst.idx.add.f32.msk $0xffff, v0  }
0x3c: {  	v1 =	vld [tilespmem:s1+$0x2720];
	_ =	sdelay $0x7  }
0x3d: {  	[tilespmem:v1+s18+$0x0] =	vst.idx.add.f32.msk $0xffff, v0  }
0x3e: {  	v1 =	vld [tilespmem:s1+$0x2730];
	_ =	sdelay $0x7  }
0x3f: {  	[tilespmem:v1+s18+$0x0] =	vst.idx.add.f32.msk $0xffff, v0  }
0x40: {  	v1 =	vld [tilespmem:s1+$0x2740];
	_ =	sdelay $0x7  }
0x41: {  	[tilespmem:v1+s18+$0x0] =	vst.idx.add.f32.msk $0xffff, v0  }
0x42: {  	v1 =	vld [tilespmem:s1+$0x2750];
	_ =	sdelay $0x7  }
0x43: {  	[tilespmem:v1+s18+$0x0] =	vst.idx.add.f32.msk $0xffff, v0  }
0x44: {  	v1 =	vld [tilespmem:s1+$0x2760];
	_ =	sdelay $0x7  }
0x45: {  	[tilespmem:v1+s18+$0x0] =	vst.idx.add.f32.msk $0xffff, v0  }
0x46: {  	v1 =	vld [tilespmem:s1+$0x2770];
	_ =	sdelay $0x7  }
0x47: {  	[tilespmem:v1+s18+$0x0] =	vst.idx.add.f32.msk $0xffff, v0  }
0x48: {  	v1 =	vld [tilespmem:s1+$0x2780];
	_ =	sdelay $0x7  }
0x49: {  	[tilespmem:v1+s18+$0x0] =	vst.idx.add.f32.msk $0xffff, v0  }
0x4a: {  	v1 =	vld [tilespmem:s1+$0x2790];
	_ =	sdelay $0x7  }
0x4b: {  	[tilespmem:v1+s18+$0x0] =	vst.idx.add.f32.msk $0xffff, v0  }
0x4c: {  	v1 =	vld [tilespmem:s1+$0x27A0];
	_ =	sdelay $0x7  }
0x4d: {  	[tilespmem:v1+s18+$0x0] =	vst.idx.add.f32.msk $0xffff, v0  }
0x4e: {  	v1 =	vld [tilespmem:s1+$0x27B0];
	_ =	sdelay $0x7  }
0x4f: {  	[tilespmem:v1+s18+$0x0] =	vst.idx.add.f32.msk $0xffff, v0  }
0x50: {  	v1 =	vld [tilespmem:s1+$0x27C0];
	_ =	sdelay $0x7  }
0x51: {  	[tilespmem:v1+s18+$0x0] =	vst.idx.add.f32.msk $0xffff, v0  }
0x52: {  	v1 =	vld [tilespmem:s1+$0x27D0];
	_ =	sdelay $0x7  }
0x53: {  	[tilespmem:v1+s18+$0x0] =	vst.idx.add.f32.msk $0xffff, v0  }
0x54: {  	v1 =	vld [tilespmem:s1+$0x27E0];
	_ =	sdelay $0x7  }
0x55: {  	[tilespmem:v1+s18+$0x0] =	vst.idx.add.f32.msk $0xffff, v0  }
0x56: {  	v1 =	vld [tilespmem:s1+$0x27F0];
	_ =	sdelay $0x7  }
0x57: {  	[tilespmem:v1+s18+$0x0] =	vst.idx.add.f32.msk $0xffff, v0  }
0x58: {  	v1 =	vld [tilespmem:s1+$0x2800];
	_ =	sdelay $0x7  }
0x59: {  	[tilespmem:v1+s18+$0x0] =	vst.idx.add.f32.msk $0xffff, v0  }
0x5a: {  	v1 =	vld [tilespmem:s1+$0x2810];
	_ =	sdelay $0x7  }
0x5b: {  	[tilespmem:v1+s18+$0x0] =	vst.idx.add.f32.msk $0xffff, v0  }
0x5c: {  	v1 =	vld [tilespmem:s1+$0x2820];
	_ =	sdelay $0x7  }
0x5d: {  	[tilespmem:v1+s18+$0x0] =	vst.idx.add.f32.msk $0xffff, v0  }
0x5e: {  	v1 =	vld [tilespmem:s1+$0x2830];
	_ =	sdelay $0x7  }
0x5f: {  	[tilespmem:v1+s18+$0x0] =	vst.idx.add.f32.msk $0xffff, v0  }
0x60: {  	v1 =	vld [tilespmem:s1+$0x2840];
	_ =	sdelay $0x7  }
0x61: {  	[tilespmem:v1+s18+$0x0] =	vst.idx.add.f32.msk $0xffff, v0  }
0x62: {  	v1 =	vld [tilespmem:s1+$0x2850];
	_ =	sdelay $0x7  }
0x63: {  	[tilespmem:v1+s18+$0x0] =	vst.idx.add.f32.msk $0xffff, v0  }
0x64: {  	v1 =	vld [tilespmem:s1+$0x2860];
	_ =	sdelay $0x7  }
0x65: {  	[tilespmem:v1+s18+$0x0] =	vst.idx.add.f32.msk $0xffff, v0  }
0x66: {  	v1 =	vld [tilespmem:s1+$0x2870];
	_ =	sdelay $0x7  }
0x67: {  	[tilespmem:v1+s18+$0x0] =	vst.idx.add.f32.msk $0xffff, v0  }
0x68: {  	v1 =	vld [tilespmem:s1+$0x2880];
	_ =	sdelay $0x7  }
0x69: {  	[tilespmem:v1+s18+$0x0] =	vst.idx.add.f32.msk $0xffff, v0  }
0x6a: {  	v1 =	vld [tilespmem:s1+$0x2890];
	_ =	sdelay $0x7  }
0x6b: {  	[tilespmem:v1+s18+$0x0] =	vst.idx.add.f32.msk $0xffff, v0  }
0x6c: {  	_ =	swait.ge [sflag:s28], $0x3200  }
0x6d: {  	[sflag:s28] =	ssyncset.done $0x0  }
0x6e: {  	s5 =	sadd.s32 $0x2710, s1;
	[sflag:s28] =	ssyncadd.s32 $0xFFFFCE00  }
0x6f: {  	[spmem:s3] =	stream.indirect.scatter.add.f32 [tilespmem:s24], [sflag:$0x3], $0x20, s5, s23, $0xb8;
	[tilespmem:$0x17C40] =	vst v63  }
0x70: {  	_ =	swait.ge [sflag:s17], $0x3200  }
0x71: {  	[sflag:s17] =	ssyncset.done $0x0  }
0x72: {  	s5 =	sadd.s32 $0x320, s1;
	[sflag:s17] =	ssyncadd.s32 $0xFFFFCE00  }
0x73: {  	[tilespmem:s24], [sflag:$0x1] =	stream.indirect.gather [spmem:s4], $0x20, s5, s23, $0xb8;
	[tilespmem:$0x17C40] =	vst v63  }
0x74: {  	v1 =	vld [tilespmem:s1+$0x28A0];
	_ =	sdelay $0x7  }
0x75: {  	[tilespmem:v1+s18+$0x0] =	vst.idx.add.f32.msk $0xffff, v0  }
0x76: {  	v1 =	vld [tilespmem:s1+$0x28B0];
	_ =	sdelay $0x7  }
0x77: {  	[tilespmem:v1+s18+$0x0] =	vst.idx.add.f32.msk $0xffff, v0  }
0x78: {  	v1 =	vld [tilespmem:s1+$0x28C0];
	_ =	sdelay $0x7  }
0x79: {  	[tilespmem:v1+s18+$0x0] =	vst.idx.add.f32.msk $0xffff, v0  }
0x7a: {  	v1 =	vld [tilespmem:s1+$0x28D0];
	_ =	sdelay $0x7  }
0x7b: {  	[tilespmem:v1+s18+$0x0] =	vst.idx.add.f32.msk $0xffff, v0  }
0x7c: {  	v1 =	vld [tilespmem:s1+$0x28E0];
	_ =	sdelay $0x7  }
0x7d: {  	[tilespmem:v1+s18+$0x0] =	vst.idx.add.f32.msk $0xffff, v0  }
0x7e: {  	v1 =	vld [tilespmem:s1+$0x28F0];
	_ =	sdelay $0x7  }
0x7f: {  	[tilespmem:v1+s18+$0x0] =	vst.idx.add.f32.msk $0xffff, v0  }
0x80: {  	v1 =	vld [tilespmem:s1+$0x2900];
	_ =	sdelay $0x7  }
0x81: {  	[tilespmem:v1+s18+$0x0] =	vst.idx.add.f32.msk $0xffff, v0  }
0x82: {  	v1 =	vld [tilespmem:s1+$0x2910];
	_ =	sdelay $0x7  }
0x83: {  	[tilespmem:v1+s18+$0x0] =	vst.idx.add.f32.msk $0xffff, v0  }
0x84: {  	v1 =	vld [tilespmem:s1+$0x2920];
	_ =	sdelay $0x7  }
0x85: {  	[tilespmem:v1+s18+$0x0] =	vst.idx.add.f32.msk $0xffff, v0  }
0x86: {  	v1 =	vld [tilespmem:s1+$0x2930];
	_ =	sdelay $0x7  }
0x87: {  	[tilespmem:v1+s18+$0x0] =	vst.idx.add.f32.msk $0xffff, v0  }
0x88: {  	v1 =	vld [tilespmem:s1+$0x2940];
	_ =	sdelay $0x7  }
0x89: {  	[tilespmem:v1+s18+$0x0] =	vst.idx.add.f32.msk $0xffff, v0  }
0x8a: {  	v1 =	vld [tilespmem:s1+$0x2950];
	_ =	sdelay $0x7  }
0x8b: {  	[tilespmem:v1+s18+$0x0] =	vst.idx.add.f32.msk $0xffff, v0  }
0x8c: {  	v1 =	vld [tilespmem:s1+$0x2960];
	_ =	sdelay $0x7  }
0x8d: {  	[tilespmem:v1+s18+$0x0] =	vst.idx.add.f32.msk $0xffff, v0  }
0x8e: {  	v1 =	vld [tilespmem:s1+$0x2970];
	_ =	sdelay $0x7  }
0x8f: {  	[tilespmem:v1+s18+$0x0] =	vst.idx.add.f32.msk $0xffff, v0  }
0x90: {  	v1 =	vld [tilespmem:s1+$0x2980];
	_ =	sdelay $0x7  }
0x91: {  	[tilespmem:v1+s18+$0x0] =	vst.idx.add.f32.msk $0xffff, v0  }
0x92: {  	v1 =	vld [tilespmem:s1+$0x2990];
	_ =	sdelay $0x7  }
0x93: {  	[tilespmem:v1+s18+$0x0] =	vst.idx.add.f32.msk $0xffff, v0  }
0x94: {  	v1 =	vld [tilespmem:s1+$0x29A0];
	_ =	sdelay $0x7  }
0x95: {  	[tilespmem:v1+s18+$0x0] =	vst.idx.add.f32.msk $0xffff, v0  }
0x96: {  	v1 =	vld [tilespmem:s1+$0x29B0];
	_ =	sdelay $0x7  }
0x97: {  	[tilespmem:v1+s18+$0x0] =	vst.idx.add.f32.msk $0xffff, v0  }
0x98: {  	v1 =	vld [tilespmem:s1+$0x29C0];
	_ =	sdelay $0x7  }
0x99: {  	[tilespmem:v1+s18+$0x0] =	vst.idx.add.f32.msk $0xffff, v0  }
0x9a: {  	v1 =	vld [tilespmem:s1+$0x29D0];
	_ =	sdelay $0x7  }
0x9b: {  	[tilespmem:v1+s18+$0x0] =	vst.idx.add.f32.msk $0xffff, v0  }
0x9c: {  	v1 =	vld [tilespmem:s1+$0x29E0];
	_ =	sdelay $0x7  }
0x9d: {  	[tilespmem:v1+s18+$0x0] =	vst.idx.add.f32.msk $0xffff, v0  }
0x9e: {  	v1 =	vld [tilespmem:s1+$0x29F0];
	_ =	sdelay $0x7  }
0x9f: {  	[tilespmem:v1+s18+$0x0] =	vst.idx.add.f32.msk $0xffff, v0  }
0xa0: {  	v1 =	vld [tilespmem:s1+$0x2A00];
	_ =	sdelay $0x7  }
0xa1: {  	[tilespmem:v1+s18+$0x0] =	vst.idx.add.f32.msk $0xffff, v0  }
0xa2: {  	v1 =	vld [tilespmem:s1+$0x2A10];
	_ =	sdelay $0x7  }
0xa3: {  	[tilespmem:v1+s18+$0x0] =	vst.idx.add.f32.msk $0xffff, v0  }
0xa4: {  	v1 =	vld [tilespmem:s1+$0x2A20];
	_ =	sdelay $0x7  }
0xa5: {  	[tilespmem:v1+s18+$0x0] =	vst.idx.add.f32.msk $0xffff, v0  }
0xa6: {  	_ =	swait.ge [sflag:s29], $0x3200  }
0xa7: {  	p1 =	sne.s32 s0, $0x8980;
	[sflag:s29] =	ssyncset.done $0x0  }
.Ltmp0:
0xa8: {  	s1 =	sadd.s32 $0x28A0, s1;
	[sflag:s29] =	ssyncadd.s32 $0xFFFFCE00;
	(pc) =	sbr.rel @p1 .LBB2_2-.Ltmp0, $4  }
0xa9: {  	[spmem:s3] =	stream.indirect.scatter.add.f32 [tilespmem:s26], [sflag:$0x3], $0x20, s1, s23, $0xb8;
	[tilespmem:$0x17C40] =	vst v63  }
0xaa: {  	_ =	swait.ge [sflag:s17], $0x3200  }
0xab: {  	[sflag:s17] =	ssyncset.done $0x0  }
0xac: {  	s0 =	sadd.s32 $0xC80, s0;
	[sflag:s17] =	ssyncadd.s32 $0xFFFFCE00  }
0xad: {  	v1 =	vld [tilespmem:$0x4C90];
	_ =	sdelay $0x7  }
0xae: {  	[tilespmem:v1+s18+$0x0] =	vst.idx.add.f32.msk $0xffff, v0  }
0xaf: {  	v1 =	vld [tilespmem:$0x4CA0];
	_ =	sdelay $0x7  }
0xb0: {  	[tilespmem:v1+s18+$0x0] =	vst.idx.add.f32.msk $0xffff, v0  }
0xb1: {  	v1 =	vld [tilespmem:$0x4CB0];
	_ =	sdelay $0x7  }
0xb2: {  	[tilespmem:v1+s18+$0x0] =	vst.idx.add.f32.msk $0xffff, v0  }
0xb3: {  	v1 =	vld [tilespmem:$0x4CC0];
	_ =	sdelay $0x7  }
0xb4: {  	[tilespmem:v1+s18+$0x0] =	vst.idx.add.f32.msk $0xffff, v0  }
0xb5: {  	v1 =	vld [tilespmem:$0x4CD0];
	_ =	sdelay $0x7  }
0xb6: {  	[tilespmem:v1+s18+$0x0] =	vst.idx.add.f32.msk $0xffff, v0  }
0xb7: {  	v1 =	vld [tilespmem:$0x4CE0];
	_ =	sdelay $0x7  }
0xb8: {  	[tilespmem:v1+s18+$0x0] =	vst.idx.add.f32.msk $0xffff, v0  }
0xb9: {  	v1 =	vld [tilespmem:$0x4CF0];
	_ =	sdelay $0x7  }
0xba: {  	[tilespmem:v1+s18+$0x0] =	vst.idx.add.f32.msk $0xffff, v0  }
0xbb: {  	v1 =	vld [tilespmem:$0x4D00];
	_ =	sdelay $0x7  }
0xbc: {  	[tilespmem:v1+s18+$0x0] =	vst.idx.add.f32.msk $0xffff, v0  }
0xbd: {  	v1 =	vld [tilespmem:$0x4D10];
	_ =	sdelay $0x7  }
0xbe: {  	[tilespmem:v1+s18+$0x0] =	vst.idx.add.f32.msk $0xffff, v0  }
0xbf: {  	v1 =	vld [tilespmem:$0x4D20];
	_ =	sdelay $0x7  }
0xc0: {  	[tilespmem:v1+s18+$0x0] =	vst.idx.add.f32.msk $0xffff, v0  }
0xc1: {  	v1 =	vld [tilespmem:$0x4D30];
	_ =	sdelay $0x7  }
0xc2: {  	[tilespmem:v1+s18+$0x0] =	vst.idx.add.f32.msk $0xffff, v0  }
0xc3: {  	v1 =	vld [tilespmem:$0x4D40];
	_ =	sdelay $0x7  }
0xc4: {  	[tilespmem:v1+s18+$0x0] =	vst.idx.add.f32.msk $0xffff, v0  }
0xc5: {  	v1 =	vld [tilespmem:$0x4D50];
	_ =	sdelay $0x7  }
0xc6: {  	[tilespmem:v1+s18+$0x0] =	vst.idx.add.f32.msk $0xffff, v0  }
0xc7: {  	v1 =	vld [tilespmem:$0x4D60];
	_ =	sdelay $0x7  }
0xc8: {  	[tilespmem:v1+s18+$0x0] =	vst.idx.add.f32.msk $0xffff, v0  }
0xc9: {  	v1 =	vld [tilespmem:$0x4D70];
	_ =	sdelay $0x7  }
0xca: {  	[tilespmem:v1+s18+$0x0] =	vst.idx.add.f32.msk $0xffff, v0  }
0xcb: {  	v1 =	vld [tilespmem:$0x4D80];
	_ =	sdelay $0x7  }
0xcc: {  	[tilespmem:v1+s18+$0x0] =	vst.idx.add.f32.msk $0xffff, v0  }
0xcd: {  	v1 =	vld [tilespmem:$0x4D90];
	_ =	sdelay $0x7  }
0xce: {  	[tilespmem:v1+s18+$0x0] =	vst.idx.add.f32.msk $0xffff, v0  }
0xcf: {  	v1 =	vld [tilespmem:$0x4DA0];
	_ =	sdelay $0x7  }
0xd0: {  	[tilespmem:v1+s18+$0x0] =	vst.idx.add.f32.msk $0xffff, v0  }
0xd1: {  	v1 =	vld [tilespmem:$0x4DB0];
	_ =	sdelay $0x7  }
0xd2: {  	[tilespmem:v1+s18+$0x0] =	vst.idx.add.f32.msk $0xffff, v0  }
0xd3: {  	v1 =	vld [tilespmem:$0x4DC0];
	_ =	sdelay $0x7  }
0xd4: {  	[tilespmem:v1+s18+$0x0] =	vst.idx.add.f32.msk $0xffff, v0  }
0xd5: {  	v1 =	vld [tilespmem:$0x4DD0];
	_ =	sdelay $0x7  }
0xd6: {  	[tilespmem:v1+s18+$0x0] =	vst.idx.add.f32.msk $0xffff, v0  }
0xd7: {  	v1 =	vld [tilespmem:$0x4DE0];
	_ =	sdelay $0x7  }
0xd8: {  	[tilespmem:v1+s18+$0x0] =	vst.idx.add.f32.msk $0xffff, v0  }
0xd9: {  	v1 =	vld [tilespmem:$0x4DF0];
	_ =	sdelay $0x7  }
0xda: {  	[tilespmem:v1+s18+$0x0] =	vst.idx.add.f32.msk $0xffff, v0  }
0xdb: {  	v1 =	vld [tilespmem:$0x4E00];
	_ =	sdelay $0x7  }
0xdc: {  	[tilespmem:v1+s18+$0x0] =	vst.idx.add.f32.msk $0xffff, v0  }
0xdd: {  	v1 =	vld [tilespmem:$0x4E10];
	_ =	sdelay $0x7  }
0xde: {  	[tilespmem:v1+s18+$0x0] =	vst.idx.add.f32.msk $0xffff, v0  }
0xdf: {  	_ =	swait.ge [sflag:s28], $0x3200  }
0xe0: {  	[sflag:s28] =	ssyncset.done $0x0  }
0xe1: {  	[sflag:s28] =	ssyncadd.s32 $0xFFFFCE00  }
0xe2: {  	[spmem:s3] =	stream.indirect.scatter.add.f32 [tilespmem:s24], [sflag:$0x3], $0x20, s30, s23, $0xb8;
	[tilespmem:$0x17C40] =	vst v63  }
0xe3: {  	_ =	swait.ge [sflag:s17], $0x3200  }
0xe4: {  	[sflag:s17] =	ssyncset.done $0x0  }
0xe5: {  	[sflag:s17] =	ssyncadd.s32 $0xFFFFCE00  }
0xe6: {  	s0 =	rddreg [dreg:$0x4]  }
0xe7: {  	[spmem:s0] =	stream.indirect.scatter.add.f32 [tilespmem:s18], [sflag:$0x3], $0x10, s19, s31, $0xb8;
	[tilespmem:$0x17C40] =	vst v63  }
0xe8: {  	_ =	swait.ge [sflag:s17], $0x2800  }
0xe9: {  	[sflag:s17] =	ssyncset.done $0x0  }
0xea: {  	[sflag:s17] =	ssyncadd.s32 $0xFFFFD800  }
0xeb: {  	[bflag:$0x0] =	sbarrier.arrive $0xFFFF  }
0xec: {  	[hbm:s13], [sflag:s9] =	dma.local [spmem:s16], $0x9E0  }
0xed: {  	s2 =	sadd.s32 $0x1, s2;
	_ =	swait.ge [sflag:s17], $0x9E0  }
0xee: {  	p1 =	sne.s32 s2, s15;
	[sflag:s17] =	ssyncset.done $0x0  }
.Ltmp1:
0xef: {  	s0 =	simm.s32 @!p0 $0x3;
	[sflag:s17] =	ssyncadd.s32 $0xFFFFF620;
	(pc) =	sbr.rel @p1 .LBB2_1-.Ltmp1, $4  }
0xf0: {  	[hbm:s14], [sflag:s9] =	dma.local @!p0 [spmem:s25], $0xA0  }
0xf1: {  	_ =	swait.ge @!p0 [sflag:s0], $0xA0  }
0xf2: {  	[sflag:s0] =	ssyncset.done @!p0 $0x0  }
0xf3: {  	[sflag:s0] =	ssyncadd.s32 @!p0 $0xFFFFFF60  }
0xf4: {  	_ =	sfence.sel $0x180000  }
0xf5: {  	[bflag:$0x0] =	sbarrier.arrive $0xFFFF  }
0xf6: {  	_ =	strace $0x90000047  }
0xf7: {  	s0 =	stileid.u32;
	[bflag:$0x2] =	sbarrier.arrive $0xFFFF  }
0xf8: {  	p0 =	sne.s32 s0, $0x0;
	s0 =	rddreg [dreg:$0x5]  }
0xf9: {  	s0 =	sadd.s32 @!p0 $0x100000, s0  }
0xfa: {  	[sflag:s0] =	ssyncadd.tile.s32 @!p0 $0x1;
	_ =	shalt  }
.Lfunc_end2:
_tile_overlayer_lowered:
.L_overlay_start_2:
0xfb: {  	(tag) =	ssettag $0x2  }
0xfc: {  	s0 =	rddreg [dreg:$0x0];
	s2 =	stileid.u32  }
0xfd: {  	s1 =	rddreg [dreg:$0x1];
	p0 =	sne.s32 s2, $0x0  }
0xfe: {  	s3 =	rddreg [dreg:$0x2];
	[bflag:$0x3] =	sbarrier.arrive $0xFFFF;
	s2 =	simm.s32 @!p0 $0x1C03  }
0xff: {  	[timem:s3], [sflag:s2] =	dma.local @!p0 [hbm:s0], s1  }
0x100: {  	s0 =	simm.s32 @!p0 $0x3  }
0x101: {  	_ =	swait.ge @!p0 [sflag:s0], s1  }
0x102: {  	s1 =	ssub.s32 @!p0 $0x0, s1;
	[sflag:s0] =	ssyncset.done @!p0 $0x0  }
0x103: {  	[sflag:s0] =	ssyncadd.s32 @!p0 s1  }
0x104: {  	[bflag:$0x3] =	sbarrier.arrive $0xFFFF  }
0x105: {  	_ =	shalt  }

</sc_bundles>
